<compile_context>
chip_gen: v7x
topology: tpu7x:2x2x1
jax: 0.10.2.dev20260603
libtpu: 0.0.44.dev20260713+nightly
codegen_flags: <defaults>
</compile_context>

<pallas_src>
import dataclasses
import functools

import jax
import jax.numpy as jnp
from jax import lax
from jax.experimental import pallas as pl
from jax.experimental.pallas import tpu as pltpu
from jax.experimental.pallas import tpu_sc as plsc

C = 0.01
SQRT_C = C ** 0.5
N = 10000
E = 320000
D = 128
NUM_RELS = 8
NUM_BASES = 8
SUB = 16

NC = 2
NS = 16
NW = NC * NS
LANES = 16

CHUNK = 128
EDGES_PER_TILE = -(-E // NW // CHUNK) * CHUNK
N_CHUNKS = EDGES_PER_TILE // CHUNK
E_PAD = EDGES_PER_TILE * NW
STRIPE = 632
LAST_STRIPE = N - (NS - 1) * STRIPE
RAD_PAD = N + 16

BN = 2000


def _phase_a_body(x_ref, w_ref, ht_ref, rad_ref):
    x = x_ref[...]
    nrm = jnp.sqrt(jnp.sum(x * x, axis=1, keepdims=True))
    nrm = jnp.maximum(nrm, 1e-10)
    y = jnp.clip(SQRT_C * nrm, -1.0 + 1e-7, 1.0 - 1e-7)
    at = 0.5 * jnp.log((1.0 + y) / (1.0 - y))
    htan = x * (at / (SQRT_C * nrm))
    rad_ref[...] = (2.0 / SQRT_C) * at
    w = w_ref[...]
    for t in range(NUM_RELS):
        ht_ref[t] = jnp.dot(htan, w[:, t * D:(t + 1) * D],
                            preferred_element_type=jnp.float32,
                            precision=lax.Precision.HIGHEST)


def _phase_a(h_hyper, w_all):
    return pl.pallas_call(
        _phase_a_body,
        grid=(N // BN,),
        in_specs=[
            pl.BlockSpec((BN, D), lambda i: (i, 0)),
            pl.BlockSpec((D, NUM_RELS * D), lambda i: (0, 0)),
        ],
        out_specs=[
            pl.BlockSpec((NUM_RELS, BN, D), lambda i: (0, i, 0)),
            pl.BlockSpec((BN, 1), lambda i: (i, 0)),
        ],
        out_shape=[
            jax.ShapeDtypeStruct((NUM_RELS, N, D), jnp.float32),
            jax.ShapeDtypeStruct((N, 1), jnp.float32),
        ],
    )(h_hyper, w_all)


def _phase_c_body(acc_ref, norm_ref, out_ref):
    h = (acc_ref[0] + acc_ref[1]) * norm_ref[...]
    nrm = jnp.maximum(jnp.sqrt(jnp.sum(h * h, axis=1, keepdims=True)), 1e-10)
    out_ref[...] = jnp.tanh(SQRT_C * nrm) * h / (SQRT_C * nrm)


def _phase_c(accs, norm):
    return pl.pallas_call(
        _phase_c_body,
        grid=(N // BN,),
        in_specs=[
            pl.BlockSpec((NC, BN, D), lambda i: (0, i, 0)),
            pl.BlockSpec((BN, 1), lambda i: (i, 0)),
        ],
        out_specs=pl.BlockSpec((BN, D), lambda i: (i, 0)),
        out_shape=jax.ShapeDtypeStruct((N, D), jnp.float32),
    )(accs, norm)


def _sc_body(table_hbm, erec_hbm, rad_hbm, zeros_hbm, out_hbm,
             acc, idx0, idx1, rs0, rs1, rd0, rd1, rw_v, rows0, rows1,
             si0, si1, sg0, sg1, sr0, sr1, sd0, sd1):
    cid = lax.axis_index("c")
    sid = lax.axis_index("s")
    wid = cid * NS + sid

    @pl.when(sid < NS - 1)
    def _():
        pltpu.sync_copy(zeros_hbm, acc.at[pl.ds(sid * STRIPE, STRIPE)])

    @pl.when(sid == NS - 1)
    def _():
        pltpu.sync_copy(zeros_hbm.at[pl.ds(0, LAST_STRIPE)],
                        acc.at[pl.ds((NS - 1) * STRIPE, LAST_STRIPE)])

    plsc.subcore_barrier()

    def idx_cp(ci, ib, sem):
        return pltpu.make_async_copy(erec_hbm.at[wid, ci], ib, sem)

    def gathers(ib, rv, rsb, rdb, sg, sr, sd):
        return (pltpu.make_async_copy(table_hbm.at[ib.at[0]], rv, sg),
                pltpu.make_async_copy(rad_hbm.at[ib.at[2]], rsb, sr),
                pltpu.make_async_copy(rad_hbm.at[ib.at[1]], rdb, sd))

    def start_gathers(ib, rv, rsb, rdb, sg, sr, sd):
        for c in gathers(ib, rv, rsb, rdb, sg, sr, sd):
            c.start()

    def wait_gathers(ib, rv, rsb, rdb, sg, sr, sd):
        for c in gathers(ib, rv, rsb, rdb, sg, sr, sd):
            c.wait()

    def process(ib, rv, rsb, rdb):
        if True:
            pltpu.sync_copy(rv, acc.at[ib.at[1]], add=True)
            return
        for j in range(CHUNK // LANES):
            sl = pl.ds(j * LANES, LANES)
            rw_v[sl] = jnp.exp(-jnp.abs(rsb[sl] - rdb[sl]))

        @plsc.parallel_loop(0, CHUNK, unroll=2)
        def _(k):
            rws = plsc.load_gather(rw_v, [jnp.zeros((LANES,), jnp.int32) + k])
            for j in range(D // LANES):
                sl = pl.ds(j * LANES, LANES)
                rv[k, sl] = rv[k, sl] * rws

        pltpu.sync_copy(rv, acc.at[ib.at[1]], add=True)

    idx_cp(0, idx0, si0).start()
    idx_cp(1, idx1, si1).start()
    idx_cp(0, idx0, si0).wait()
    start_gathers(idx0, rows0, rs0, rd0, sg0, sr0, sd0)

    @pl.loop(0, N_CHUNKS - 1, step=2)
    def _(ci):
        idx_cp(ci + 1, idx1, si1).wait()
        start_gathers(idx1, rows1, rs1, rd1, sg1, sr1, sd1)
        wait_gathers(idx0, rows0, rs0, rd0, sg0, sr0, sd0)
        process(idx0, rows0, rs0, rd0)
        idx_cp(ci + 2, idx0, si0).start()

        wait_gathers(idx1, rows1, rs1, rd1, sg1, sr1, sd1)
        idx_cp(ci + 2, idx0, si0).wait()
        start_gathers(idx0, rows0, rs0, rd0, sg0, sr0, sd0)
        process(idx1, rows1, rs1, rd1)

        @pl.when(ci < N_CHUNKS - 3)
        def _():
            idx_cp(ci + 3, idx1, si1).start()

    wait_gathers(idx0, rows0, rs0, rd0, sg0, sr0, sd0)
    process(idx0, rows0, rs0, rd0)

    plsc.subcore_barrier()

    @pl.when(sid < NS - 1)
    def _():
        pltpu.sync_copy(acc.at[pl.ds(sid * STRIPE, STRIPE)],
                        out_hbm.at[cid, pl.ds(sid * STRIPE, STRIPE)])

    @pl.when(sid == NS - 1)
    def _():
        pltpu.sync_copy(acc.at[pl.ds((NS - 1) * STRIPE, LAST_STRIPE)],
                        out_hbm.at[cid, pl.ds((NS - 1) * STRIPE, LAST_STRIPE)])


def _sc_scatter(table, erec, rad_pad, zeros):
    mesh = plsc.VectorSubcoreMesh(core_axis_name="c", subcore_axis_name="s",
                                  num_cores=NC, num_subcores=NS)
    cp = pltpu.CompilerParams()
    if "needs_layout_passes" in pltpu.CompilerParams.__dataclass_fields__:
        cp = dataclasses.replace(cp, needs_layout_passes=False)
    f = pl.kernel(
        _sc_body,
        out_type=jax.ShapeDtypeStruct((NC, N, D), jnp.float32),
        mesh=mesh,
        scratch_types=[
            pltpu.VMEM_SHARED((N, D), jnp.float32),
            pltpu.VMEM((3, CHUNK), jnp.int32),
            pltpu.VMEM((3, CHUNK), jnp.int32),
            pltpu.VMEM((CHUNK,), jnp.float32),
            pltpu.VMEM((CHUNK,), jnp.float32),
            pltpu.VMEM((CHUNK,), jnp.float32),
            pltpu.VMEM((CHUNK,), jnp.float32),
            pltpu.VMEM((CHUNK,), jnp.float32),
            pltpu.VMEM((CHUNK, D), jnp.float32),
            pltpu.VMEM((CHUNK, D), jnp.float32),
            pltpu.SemaphoreType.DMA,
            pltpu.SemaphoreType.DMA,
            pltpu.SemaphoreType.DMA,
            pltpu.SemaphoreType.DMA,
            pltpu.SemaphoreType.DMA,
            pltpu.SemaphoreType.DMA,
            pltpu.SemaphoreType.DMA,
            pltpu.SemaphoreType.DMA,
        ],
        compiler_params=cp,
    )
    return f(table, erec, rad_pad, zeros)


def kernel(h_hyper, edge_index, edge_type, norm, W):
    src = edge_index[0]
    dst = edge_index[1]

    w4 = W.reshape(NUM_RELS, NUM_BASES, SUB, SUB)
    w_all = (w4.transpose(1, 2, 0, 3)[:, :, :, None, :]
             * jnp.eye(NUM_BASES, dtype=jnp.float32)[:, None, None, :, None]
             ).reshape(D, NUM_RELS * D)

    h_trans, radius = _phase_a(h_hyper, w_all)
    table = h_trans.reshape(NUM_RELS * N, D)

    gidx = edge_type * N + src
    pad = E_PAD - E
    spread = jnp.arange(pad, dtype=jnp.int32)
    gidx_p = jnp.concatenate([gidx, spread % (NUM_RELS * N)])
    src_p = jnp.concatenate([src, jnp.full((pad,), N, jnp.int32)])
    dst_p = jnp.concatenate([dst, spread % N])
    erec = (jnp.stack([gidx_p, dst_p, src_p])
            .reshape(3, NW, N_CHUNKS, CHUNK).transpose(1, 2, 0, 3))

    rad_pad = jnp.concatenate([radius.reshape(N),
                               jnp.full((RAD_PAD - N,), 1e30, jnp.float32)])
    zeros = jnp.zeros((STRIPE, D), jnp.float32)
    accs = _sc_scatter(table, erec, rad_pad, zeros)
    return _phase_c(accs, norm)

# --- scband reference (transcript-rebuilt; emitter-appended) ---
"""Pipeline reference for scband-hyperbolic-rgcnlayer-26680336843171 (READ-ONLY COPY).

The authoritative reference and input builder live on the scoring server;
editing this copy changes nothing except your own understanding.
"""

import jax, jax.numpy as jnp
import numpy as np

C = 0.01
SQRT_C = C ** 0.5
N = 10000
E = 320000
D = 128
NUM_RELS = 8
NUM_BASES = 8
SUB_IN = D // NUM_BASES
SUB_OUT = D // NUM_BASES


def _artanh(x):
    x = jnp.clip(x, -1.0 + 1e-7, 1.0 - 1e-7)
    return 0.5 * jnp.log((1.0 + x) / (1.0 - x))


def _log_map_zero(x):
    nrm = jnp.clip(jnp.linalg.norm(x, axis=-1, keepdims=True), 1e-10, None)
    return _artanh(SQRT_C * nrm) * x / (SQRT_C * nrm)


def _exp_map_zero(u):
    nrm = jnp.clip(jnp.linalg.norm(u, axis=-1, keepdims=True), 1e-10, None)
    return jnp.tanh(SQRT_C * nrm) * u / (SQRT_C * nrm)


def _radius(x):
    nrm = jnp.clip(jnp.linalg.norm(x, axis=-1), 1e-10, None)
    return (2.0 / SQRT_C) * _artanh(SQRT_C * nrm)


def setup_inputs(seed: int = 0) -> dict:
    key = jax.random.key(seed)
    k1, k2, k3, k4, k5 = jax.random.split(key, 5)
    # scale so points lie well inside the Poincare ball of radius 1/sqrt(c)=10
    h_hyper = jax.random.normal(k1, (N, D), dtype=jnp.float32) * 0.05
    edge_index = jax.random.randint(k2, (2, E), 0, N, dtype=jnp.int32)
    edge_type = jax.random.randint(k3, (E,), 0, NUM_RELS, dtype=jnp.int32)
    norm = jax.random.uniform(k4, (N, 1), dtype=jnp.float32)
    fan = NUM_RELS + NUM_BASES * SUB_IN * SUB_OUT
    limit = (2.0 ** 0.5) * (6.0 / fan) ** 0.5  # xavier_uniform with relu gain
    W = jax.random.uniform(k5, (NUM_RELS, NUM_BASES * SUB_IN * SUB_OUT), dtype=jnp.float32, minval=-limit, maxval=limit)
    return {"h_hyper": h_hyper, "edge_index": edge_index, "edge_type": edge_type, "norm": norm, "W": W}


def reference(h_hyper, edge_index, edge_type, norm, W):
    src = edge_index[0]
    dst = edge_index[1]
    # 1) hyperbolic -> tangent space
    h_tangent = _log_map_zero(h_hyper)
    radius = _radius(h_hyper)  # [N]
    # 2) RGCN message passing in tangent space (block-diagonal weight decomposition)
    w_e = jnp.take(W, edge_type, axis=0).reshape(-1, SUB_IN, SUB_OUT)  # [E*NUM_BASES, SUB_IN, SUB_OUT]
    node = jnp.take(h_tangent, src, axis=0).reshape(-1, 1, SUB_IN)    # [E*NUM_BASES, 1, SUB_IN]
    msg = jnp.matmul(node, w_e).reshape(-1, D)                        # [E, out_feat]
    radius_diff = jnp.abs(jnp.take(radius, src, axis=0) - jnp.take(radius, dst, axis=0))
    radius_weight = jnp.exp(-radius_diff)
    msg = msg * radius_weight[:, None]
    agg = jax.ops.segment_sum(msg, dst, num_segments=N)               # sum aggregation to dst
    # 3) apply normalization
    h_new = agg * norm
    # 4) tangent -> hyperbolic space
    h_out = _exp_map_zero(h_new)
    return h_out

if __name__ == "__main__":
    import jax
    _d = setup_inputs()
    print(jax.jit(kernel)(*tuple(_d.values())))

</pallas_src>

<mosaic_0001>
#map = affine_map<(d0, d1) -> (0, 0)>
#map1 = affine_map<(d0, d1) -> (0, 0, 0, 0)>
#map2 = affine_map<(d0, d1) -> (0)>
#map3 = affine_map<(d0, d1) -> (0, 0, 0)>
module attributes {stable_mosaic.version = 14 : i64} {
  func.func @_sc_body(%arg0: i32, %arg1: i32, %arg2: memref<80000x128xf32, #tpu.memory_space<hbm>>, %arg3: memref<32x79x3x128xi32, #tpu.memory_space<hbm>>, %arg4: memref<10016xf32, #tpu.memory_space<hbm>>, %arg5: memref<632x128xf32, #tpu.memory_space<hbm>>, %arg6: memref<2x10000x128xf32, #tpu.memory_space<hbm>>, %arg7: memref<10000x128xf32, #tpu.memory_space<vmem_shared>>, %arg8: memref<3x128xi32, #tpu.memory_space<vmem>>, %arg9: memref<3x128xi32, #tpu.memory_space<vmem>>, %arg10: memref<128xf32, #tpu.memory_space<vmem>>, %arg11: memref<128xf32, #tpu.memory_space<vmem>>, %arg12: memref<128xf32, #tpu.memory_space<vmem>>, %arg13: memref<128xf32, #tpu.memory_space<vmem>>, %arg14: memref<128xf32, #tpu.memory_space<vmem>>, %arg15: memref<128x128xf32, #tpu.memory_space<vmem>>, %arg16: memref<128x128xf32, #tpu.memory_space<vmem>>, %arg17: memref<!tpu.dma_semaphore, #tpu.memory_space<semaphore_mem>>, %arg18: memref<!tpu.dma_semaphore, #tpu.memory_space<semaphore_mem>>, %arg19: memref<!tpu.dma_semaphore, #tpu.memory_space<semaphore_mem>>, %arg20: memref<!tpu.dma_semaphore, #tpu.memory_space<semaphore_mem>>, %arg21: memref<!tpu.dma_semaphore, #tpu.memory_space<semaphore_mem>>, %arg22: memref<!tpu.dma_semaphore, #tpu.memory_space<semaphore_mem>>, %arg23: memref<!tpu.dma_semaphore, #tpu.memory_space<semaphore_mem>>, %arg24: memref<!tpu.dma_semaphore, #tpu.memory_space<semaphore_mem>>) attributes {dimension_semantics = [#tpu.dimension_semantics<core_parallel>, #tpu.dimension_semantics<subcore_parallel>], iteration_bounds = array<i64: 2, 16>, scalar_prefetch = 0 : i64, scratch_operands = 18 : i64, tpu.core_type = #tpu.core_type<sc_vector_subcore>, window_params = [{transform_indices = #map}, {transform_indices = #map1}, {transform_indices = #map2}, {transform_indices = #map}, {transform_indices = #map3}]} {
    %mul3A = arith.constant 16 : i32
    %mul3A_0 = arith.muli %arg0, %mul3A : i32
    %add3A = arith.addi %mul3A_0, %arg1 : i32
    %lt3A = arith.constant 15 : i32
    %lt3A_1 = arith.cmpi slt, %arg1, %lt3A : i32
    %convert_element_type3A = arith.extui %lt3A_1 : i1 to i32
    %cond3A = arith.constant 0 : i32
    %cond3A_2 = arith.cmpi ne, %convert_element_type3A, %cond3A : i32
    scf.if %cond3A_2 {
      %mul3A_85 = arith.constant 632 : i32
      %mul3A_86 = arith.muli %arg1, %mul3A_85 : i32
      "tpu.region"() ({
        %run_scoped3A_87 = tpu.sem_alloc : memref<!tpu.dma_semaphore, #tpu.memory_space<semaphore_mem>>
        %dma_start3A_88 = arith.constant 0 : i32
        %dma_start3A_89 = tpu.memref_slice %arg7[%mul3A_86, %dma_start3A_88] : memref<10000x128xf32, #tpu.memory_space<vmem_shared>> -> memref<632x128xf32, #tpu.memory_space<vmem_shared>>
        tpu.enqueue_dma source(%arg5 : memref<632x128xf32, #tpu.memory_space<hbm>>) target(%dma_start3A_89 : memref<632x128xf32, #tpu.memory_space<vmem_shared>>) target_semaphore(%run_scoped3A_87 : memref<!tpu.dma_semaphore, #tpu.memory_space<semaphore_mem>>)
        %dma_wait3A_90 = arith.constant 0 : i32
        %dma_wait3A_91 = tpu.memref_slice %arg7[%mul3A_86, %dma_wait3A_90] : memref<10000x128xf32, #tpu.memory_space<vmem_shared>> -> memref<632x128xf32, #tpu.memory_space<vmem_shared>>
        tpu.wait_dma2 semaphore(%run_scoped3A_87 : memref<!tpu.dma_semaphore, #tpu.memory_space<semaphore_mem>>) src(%arg5 : memref<632x128xf32, #tpu.memory_space<hbm>>) dst(%dma_wait3A_91 : memref<632x128xf32, #tpu.memory_space<vmem_shared>>)
        tpu.yield
      }) : () -> ()
    } else {
    }
    %eq3A = arith.constant 15 : i32
    %eq3A_3 = arith.cmpi eq, %arg1, %eq3A : i32
    %convert_element_type3A_4 = arith.extui %eq3A_3 : i1 to i32
    %cond3A_5 = arith.constant 0 : i32
    %cond3A_6 = arith.cmpi ne, %convert_element_type3A_4, %cond3A_5 : i32
    scf.if %cond3A_6 {
      "tpu.region"() ({
        %run_scoped3A_85 = tpu.sem_alloc : memref<!tpu.dma_semaphore, #tpu.memory_space<semaphore_mem>>
        %dma_start3A_86 = arith.constant 9480 : i32
        %dma_start3A_87 = arith.constant 0 : i32
        %dma_start3A_88 = tpu.memref_slice %arg7[%dma_start3A_86, %dma_start3A_87] : memref<10000x128xf32, #tpu.memory_space<vmem_shared>> -> memref<520x128xf32, #tpu.memory_space<vmem_shared>>
        %dma_start3A_89 = arith.constant 0 : i32
        %dma_start3A_90 = arith.constant 0 : i32
        %dma_start3A_91 = tpu.memref_slice %arg5[%dma_start3A_89, %dma_start3A_90] : memref<632x128xf32, #tpu.memory_space<hbm>> -> memref<520x128xf32, #tpu.memory_space<hbm>>
        tpu.enqueue_dma source(%dma_start3A_91 : memref<520x128xf32, #tpu.memory_space<hbm>>) target(%dma_start3A_88 : memref<520x128xf32, #tpu.memory_space<vmem_shared>>) target_semaphore(%run_scoped3A_85 : memref<!tpu.dma_semaphore, #tpu.memory_space<semaphore_mem>>)
        %dma_wait3A_92 = arith.constant 9480 : i32
        %dma_wait3A_93 = arith.constant 0 : i32
        %dma_wait3A_94 = tpu.memref_slice %arg7[%dma_wait3A_92, %dma_wait3A_93] : memref<10000x128xf32, #tpu.memory_space<vmem_shared>> -> memref<520x128xf32, #tpu.memory_space<vmem_shared>>
        %dma_wait3A_95 = arith.constant 0 : i32
        %dma_wait3A_96 = arith.constant 0 : i32
        %dma_wait3A_97 = tpu.memref_slice %arg5[%dma_wait3A_95, %dma_wait3A_96] : memref<632x128xf32, #tpu.memory_space<hbm>> -> memref<520x128xf32, #tpu.memory_space<hbm>>
        tpu.wait_dma2 semaphore(%run_scoped3A_85 : memref<!tpu.dma_semaphore, #tpu.memory_space<semaphore_mem>>) src(%dma_wait3A_97 : memref<520x128xf32, #tpu.memory_space<hbm>>) dst(%dma_wait3A_94 : memref<520x128xf32, #tpu.memory_space<vmem_shared>>)
        tpu.yield
      }) : () -> ()
    } else {
    }
    %barrier3A = arith.constant 0 : index
    tpu.barrier barrier_id(%barrier3A)
    %dma_start3A = arith.constant 0 : i32
    %dma_start3A_7 = arith.constant 0 : i32
    %dma_start3A_8 = arith.constant 0 : i32
    %dma_start3A_9 = tpu.memref_slice %arg3[%add3A, %dma_start3A, %dma_start3A_7, %dma_start3A_8] : memref<32x79x3x128xi32, #tpu.memory_space<hbm>> -> memref<1x1x3x128xi32, #tpu.memory_space<hbm>>
    %dma_start3A_10 = tpu.memref_squeeze %dma_start3A_9 : memref<1x1x3x128xi32, #tpu.memory_space<hbm>> -> memref<3x128xi32, #tpu.memory_space<hbm>>
    %dma_start3A_11 = arith.constant 0 : i32
    %dma_start3A_12 = arith.constant 0 : i32
    %dma_start3A_13 = tpu.memref_slice %arg3[%add3A, %dma_start3A, %dma_start3A_11, %dma_start3A_12] : memref<32x79x3x128xi32, #tpu.memory_space<hbm>> -> memref<1x1x3x128xi32, #tpu.memory_space<hbm>>
    %dma_start3A_14 = tpu.memref_squeeze %dma_start3A_13 : memref<1x1x3x128xi32, #tpu.memory_space<hbm>> -> memref<3x128xi32, #tpu.memory_space<hbm>>
    tpu.enqueue_dma source(%dma_start3A_14 : memref<3x128xi32, #tpu.memory_space<hbm>>) target(%arg8 : memref<3x128xi32, #tpu.memory_space<vmem>>) target_semaphore(%arg17 : memref<!tpu.dma_semaphore, #tpu.memory_space<semaphore_mem>>)
    %dma_start3A_15 = arith.constant 1 : i32
    %dma_start3A_16 = arith.constant 0 : i32
    %dma_start3A_17 = arith.constant 0 : i32
    %dma_start3A_18 = tpu.memref_slice %arg3[%add3A, %dma_start3A_15, %dma_start3A_16, %dma_start3A_17] : memref<32x79x3x128xi32, #tpu.memory_space<hbm>> -> memref<1x1x3x128xi32, #tpu.memory_space<hbm>>
    %dma_start3A_19 = tpu.memref_squeeze %dma_start3A_18 : memref<1x1x3x128xi32, #tpu.memory_space<hbm>> -> memref<3x128xi32, #tpu.memory_space<hbm>>
    %dma_start3A_20 = arith.constant 0 : i32
    %dma_start3A_21 = arith.constant 0 : i32
    %dma_start3A_22 = tpu.memref_slice %arg3[%add3A, %dma_start3A_15, %dma_start3A_20, %dma_start3A_21] : memref<32x79x3x128xi32, #tpu.memory_space<hbm>> -> memref<1x1x3x128xi32, #tpu.memory_space<hbm>>
    %dma_start3A_23 = tpu.memref_squeeze %dma_start3A_22 : memref<1x1x3x128xi32, #tpu.memory_space<hbm>> -> memref<3x128xi32, #tpu.memory_space<hbm>>
    tpu.enqueue_dma source(%dma_start3A_23 : memref<3x128xi32, #tpu.memory_space<hbm>>) target(%arg9 : memref<3x128xi32, #tpu.memory_space<vmem>>) target_semaphore(%arg18 : memref<!tpu.dma_semaphore, #tpu.memory_space<semaphore_mem>>)
    %dma_wait3A = arith.constant 0 : i32
    %dma_wait3A_24 = arith.constant 0 : i32
    %dma_wait3A_25 = arith.constant 0 : i32
    %dma_wait3A_26 = tpu.memref_slice %arg3[%add3A, %dma_wait3A, %dma_wait3A_24, %dma_wait3A_25] : memref<32x79x3x128xi32, #tpu.memory_space<hbm>> -> memref<1x1x3x128xi32, #tpu.memory_space<hbm>>
    %dma_wait3A_27 = tpu.memref_squeeze %dma_wait3A_26 : memref<1x1x3x128xi32, #tpu.memory_space<hbm>> -> memref<3x128xi32, #tpu.memory_space<hbm>>
    %dma_wait3A_28 = arith.constant 0 : i32
    %dma_wait3A_29 = arith.constant 0 : i32
    %dma_wait3A_30 = tpu.memref_slice %arg3[%add3A, %dma_wait3A, %dma_wait3A_28, %dma_wait3A_29] : memref<32x79x3x128xi32, #tpu.memory_space<hbm>> -> memref<1x1x3x128xi32, #tpu.memory_space<hbm>>
    %dma_wait3A_31 = tpu.memref_squeeze %dma_wait3A_30 : memref<1x1x3x128xi32, #tpu.memory_space<hbm>> -> memref<3x128xi32, #tpu.memory_space<hbm>>
    tpu.wait_dma2 semaphore(%arg17 : memref<!tpu.dma_semaphore, #tpu.memory_space<semaphore_mem>>) src(%dma_wait3A_31 : memref<3x128xi32, #tpu.memory_space<hbm>>) dst(%arg8 : memref<3x128xi32, #tpu.memory_space<vmem>>)
    %dma_start3A_32 = arith.constant 0 : i32
    %dma_start3A_33 = arith.constant 0 : i32
    %dma_start3A_34 = tpu.memref_slice %arg8[%dma_start3A_32, %dma_start3A_33] : memref<3x128xi32, #tpu.memory_space<vmem>> -> memref<1x128xi32, #tpu.memory_space<vmem>>
    %dma_start3A_35 = tpu.memref_squeeze %dma_start3A_34 : memref<1x128xi32, #tpu.memory_space<vmem>> -> memref<128xi32, #tpu.memory_space<vmem>>
    %dma_start3A_36 = arith.constant 0 : i32
    %dma_start3A_37 = arith.constant 0 : i32
    %dma_start3A_38 = tpu.memref_slice %arg2[%dma_start3A_36, %dma_start3A_37] : memref<80000x128xf32, #tpu.memory_space<hbm>> -> memref<80000x128xf32, #tpu.memory_space<hbm>>
    tpu.enqueue_indirect_dma source(%dma_start3A_38 : memref<80000x128xf32, #tpu.memory_space<hbm>>) target(%arg15 : memref<128x128xf32, #tpu.memory_space<vmem>>) offsets(%dma_start3A_35 : memref<128xi32, #tpu.memory_space<vmem>>) semaphore(%arg19 : memref<!tpu.dma_semaphore, #tpu.memory_space<semaphore_mem>>)
    %dma_start3A_39 = arith.constant 2 : i32
    %dma_start3A_40 = arith.constant 0 : i32
    %dma_start3A_41 = tpu.memref_slice %arg8[%dma_start3A_39, %dma_start3A_40] : memref<3x128xi32, #tpu.memory_space<vmem>> -> memref<1x128xi32, #tpu.memory_space<vmem>>
    %dma_start3A_42 = tpu.memref_squeeze %dma_start3A_41 : memref<1x128xi32, #tpu.memory_space<vmem>> -> memref<128xi32, #tpu.memory_space<vmem>>
    %dma_start3A_43 = arith.constant 0 : i32
    %dma_start3A_44 = tpu.memref_slice %arg4[%dma_start3A_43] : memref<10016xf32, #tpu.memory_space<hbm>> -> memref<10016xf32, #tpu.memory_space<hbm>>
    tpu.enqueue_indirect_dma source(%dma_start3A_44 : memref<10016xf32, #tpu.memory_space<hbm>>) target(%arg10 : memref<128xf32, #tpu.memory_space<vmem>>) offsets(%dma_start3A_42 : memref<128xi32, #tpu.memory_space<vmem>>) semaphore(%arg21 : memref<!tpu.dma_semaphore, #tpu.memory_space<semaphore_mem>>)
    %dma_start3A_45 = arith.constant 1 : i32
    %dma_start3A_46 = arith.constant 0 : i32
    %dma_start3A_47 = tpu.memref_slice %arg8[%dma_start3A_45, %dma_start3A_46] : memref<3x128xi32, #tpu.memory_space<vmem>> -> memref<1x128xi32, #tpu.memory_space<vmem>>
    %dma_start3A_48 = tpu.memref_squeeze %dma_start3A_47 : memref<1x128xi32, #tpu.memory_space<vmem>> -> memref<128xi32, #tpu.memory_space<vmem>>
    %dma_start3A_49 = arith.constant 0 : i32
    %dma_start3A_50 = tpu.memref_slice %arg4[%dma_start3A_49] : memref<10016xf32, #tpu.memory_space<hbm>> -> memref<10016xf32, #tpu.memory_space<hbm>>
    tpu.enqueue_indirect_dma source(%dma_start3A_50 : memref<10016xf32, #tpu.memory_space<hbm>>) target(%arg12 : memref<128xf32, #tpu.memory_space<vmem>>) offsets(%dma_start3A_48 : memref<128xi32, #tpu.memory_space<vmem>>) semaphore(%arg23 : memref<!tpu.dma_semaphore, #tpu.memory_space<semaphore_mem>>)
    %scan3A = arith.constant 0 : i32
    %scan3A_51 = arith.constant 39 : i32
    %scan3A_52 = arith.addi %scan3A, %scan3A_51 : i32
    %scan3A_53 = arith.constant 1 : i32
    scf.for %scan3A_85 = %scan3A to %scan3A_52 step %scan3A_53  : i32 {
      %mul3A_86 = arith.constant 2 : i32
      %mul3A_87 = arith.muli %scan3A_85, %mul3A_86 : i32
      %add3A_88 = arith.constant 0 : i32
      %add3A_89 = arith.addi %add3A_88, %mul3A_87 : i32
      %add3A_90 = arith.constant 1 : i32
      %add3A_91 = arith.addi %add3A_89, %add3A_90 : i32
      %dma_wait3A_92 = arith.constant 0 : i32
      %dma_wait3A_93 = arith.constant 0 : i32
      %dma_wait3A_94 = tpu.memref_slice %arg3[%add3A, %add3A_91, %dma_wait3A_92, %dma_wait3A_93] : memref<32x79x3x128xi32, #tpu.memory_space<hbm>> -> memref<1x1x3x128xi32, #tpu.memory_space<hbm>>
      %dma_wait3A_95 = tpu.memref_squeeze %dma_wait3A_94 : memref<1x1x3x128xi32, #tpu.memory_space<hbm>> -> memref<3x128xi32, #tpu.memory_space<hbm>>
      %dma_wait3A_96 = arith.constant 0 : i32
      %dma_wait3A_97 = arith.constant 0 : i32
      %dma_wait3A_98 = tpu.memref_slice %arg3[%add3A, %add3A_91, %dma_wait3A_96, %dma_wait3A_97] : memref<32x79x3x128xi32, #tpu.memory_space<hbm>> -> memref<1x1x3x128xi32, #tpu.memory_space<hbm>>
      %dma_wait3A_99 = tpu.memref_squeeze %dma_wait3A_98 : memref<1x1x3x128xi32, #tpu.memory_space<hbm>> -> memref<3x128xi32, #tpu.memory_space<hbm>>
      tpu.wait_dma2 semaphore(%arg18 : memref<!tpu.dma_semaphore, #tpu.memory_space<semaphore_mem>>) src(%dma_wait3A_99 : memref<3x128xi32, #tpu.memory_space<hbm>>) dst(%arg9 : memref<3x128xi32, #tpu.memory_space<vmem>>)
      %dma_start3A_100 = arith.constant 0 : i32
      %dma_start3A_101 = arith.constant 0 : i32
      %dma_start3A_102 = tpu.memref_slice %arg9[%dma_start3A_100, %dma_start3A_101] : memref<3x128xi32, #tpu.memory_space<vmem>> -> memref<1x128xi32, #tpu.memory_space<vmem>>
      %dma_start3A_103 = tpu.memref_squeeze %dma_start3A_102 : memref<1x128xi32, #tpu.memory_space<vmem>> -> memref<128xi32, #tpu.memory_space<vmem>>
      %dma_start3A_104 = arith.constant 0 : i32
      %dma_start3A_105 = arith.constant 0 : i32
      %dma_start3A_106 = tpu.memref_slice %arg2[%dma_start3A_104, %dma_start3A_105] : memref<80000x128xf32, #tpu.memory_space<hbm>> -> memref<80000x128xf32, #tpu.memory_space<hbm>>
      tpu.enqueue_indirect_dma source(%dma_start3A_106 : memref<80000x128xf32, #tpu.memory_space<hbm>>) target(%arg16 : memref<128x128xf32, #tpu.memory_space<vmem>>) offsets(%dma_start3A_103 : memref<128xi32, #tpu.memory_space<vmem>>) semaphore(%arg20 : memref<!tpu.dma_semaphore, #tpu.memory_space<semaphore_mem>>)
      %dma_start3A_107 = arith.constant 2 : i32
      %dma_start3A_108 = arith.constant 0 : i32
      %dma_start3A_109 = tpu.memref_slice %arg9[%dma_start3A_107, %dma_start3A_108] : memref<3x128xi32, #tpu.memory_space<vmem>> -> memref<1x128xi32, #tpu.memory_space<vmem>>
      %dma_start3A_110 = tpu.memref_squeeze %dma_start3A_109 : memref<1x128xi32, #tpu.memory_space<vmem>> -> memref<128xi32, #tpu.memory_space<vmem>>
      %dma_start3A_111 = arith.constant 0 : i32
      %dma_start3A_112 = tpu.memref_slice %arg4[%dma_start3A_111] : memref<10016xf32, #tpu.memory_space<hbm>> -> memref<10016xf32, #tpu.memory_space<hbm>>
      tpu.enqueue_indirect_dma source(%dma_start3A_112 : memref<10016xf32, #tpu.memory_space<hbm>>) target(%arg11 : memref<128xf32, #tpu.memory_space<vmem>>) offsets(%dma_start3A_110 : memref<128xi32, #tpu.memory_space<vmem>>) semaphore(%arg22 : memref<!tpu.dma_semaphore, #tpu.memory_space<semaphore_mem>>)
      %dma_start3A_113 = arith.constant 1 : i32
      %dma_start3A_114 = arith.constant 0 : i32
      %dma_start3A_115 = tpu.memref_slice %arg9[%dma_start3A_113, %dma_start3A_114] : memref<3x128xi32, #tpu.memory_space<vmem>> -> memref<1x128xi32, #tpu.memory_space<vmem>>
      %dma_start3A_116 = tpu.memref_squeeze %dma_start3A_115 : memref<1x128xi32, #tpu.memory_space<vmem>> -> memref<128xi32, #tpu.memory_space<vmem>>
      %dma_start3A_117 = arith.constant 0 : i32
      %dma_start3A_118 = tpu.memref_slice %arg4[%dma_start3A_117] : memref<10016xf32, #tpu.memory_space<hbm>> -> memref<10016xf32, #tpu.memory_space<hbm>>
      tpu.enqueue_indirect_dma source(%dma_start3A_118 : memref<10016xf32, #tpu.memory_space<hbm>>) target(%arg13 : memref<128xf32, #tpu.memory_space<vmem>>) offsets(%dma_start3A_116 : memref<128xi32, #tpu.memory_space<vmem>>) semaphore(%arg24 : memref<!tpu.dma_semaphore, #tpu.memory_space<semaphore_mem>>)
      %dma_wait3A_119 = arith.constant 0 : i32
      %dma_wait3A_120 = arith.constant 0 : i32
      %dma_wait3A_121 = tpu.memref_slice %arg8[%dma_wait3A_119, %dma_wait3A_120] : memref<3x128xi32, #tpu.memory_space<vmem>> -> memref<1x128xi32, #tpu.memory_space<vmem>>
      %dma_wait3A_122 = tpu.memref_squeeze %dma_wait3A_121 : memref<1x128xi32, #tpu.memory_space<vmem>> -> memref<128xi32, #tpu.memory_space<vmem>>
      %dma_wait3A_123 = arith.constant 0 : i32
      %dma_wait3A_124 = arith.constant 0 : i32
      %dma_wait3A_125 = tpu.memref_slice %arg2[%dma_wait3A_123, %dma_wait3A_124] : memref<80000x128xf32, #tpu.memory_space<hbm>> -> memref<80000x128xf32, #tpu.memory_space<hbm>>
      tpu.wait_indirect_dma semaphore(%arg19 : memref<!tpu.dma_semaphore, #tpu.memory_space<semaphore_mem>>) src(%dma_wait3A_125 : memref<80000x128xf32, #tpu.memory_space<hbm>>) dst(%arg15 : memref<128x128xf32, #tpu.memory_space<vmem>>)
      %dma_wait3A_126 = arith.constant 2 : i32
      %dma_wait3A_127 = arith.constant 0 : i32
      %dma_wait3A_128 = tpu.memref_slice %arg8[%dma_wait3A_126, %dma_wait3A_127] : memref<3x128xi32, #tpu.memory_space<vmem>> -> memref<1x128xi32, #tpu.memory_space<vmem>>
      %dma_wait3A_129 = tpu.memref_squeeze %dma_wait3A_128 : memref<1x128xi32, #tpu.memory_space<vmem>> -> memref<128xi32, #tpu.memory_space<vmem>>
      %dma_wait3A_130 = arith.constant 0 : i32
      %dma_wait3A_131 = tpu.memref_slice %arg4[%dma_wait3A_130] : memref<10016xf32, #tpu.memory_space<hbm>> -> memref<10016xf32, #tpu.memory_space<hbm>>
      tpu.wait_indirect_dma semaphore(%arg21 : memref<!tpu.dma_semaphore, #tpu.memory_space<semaphore_mem>>) src(%dma_wait3A_131 : memref<10016xf32, #tpu.memory_space<hbm>>) dst(%arg10 : memref<128xf32, #tpu.memory_space<vmem>>)
      %dma_wait3A_132 = arith.constant 1 : i32
      %dma_wait3A_133 = arith.constant 0 : i32
      %dma_wait3A_134 = tpu.memref_slice %arg8[%dma_wait3A_132, %dma_wait3A_133] : memref<3x128xi32, #tpu.memory_space<vmem>> -> memref<1x128xi32, #tpu.memory_space<vmem>>
      %dma_wait3A_135 = tpu.memref_squeeze %dma_wait3A_134 : memref<1x128xi32, #tpu.memory_space<vmem>> -> memref<128xi32, #tpu.memory_space<vmem>>
      %dma_wait3A_136 = arith.constant 0 : i32
      %dma_wait3A_137 = tpu.memref_slice %arg4[%dma_wait3A_136] : memref<10016xf32, #tpu.memory_space<hbm>> -> memref<10016xf32, #tpu.memory_space<hbm>>
      tpu.wait_indirect_dma semaphore(%arg23 : memref<!tpu.dma_semaphore, #tpu.memory_space<semaphore_mem>>) src(%dma_wait3A_137 : memref<10016xf32, #tpu.memory_space<hbm>>) dst(%arg12 : memref<128xf32, #tpu.memory_space<vmem>>)
      %run_scoped3A_138 = arith.constant 1 : i32
      "tpu.region"() ({
        %run_scoped3A_203 = tpu.sem_alloc : memref<!tpu.dma_semaphore, #tpu.memory_space<semaphore_mem>>
        %dma_start3A_204 = arith.constant 0 : i32
        %dma_start3A_205 = tpu.memref_slice %arg8[%run_scoped3A_138, %dma_start3A_204] : memref<3x128xi32, #tpu.memory_space<vmem>> -> memref<1x128xi32, #tpu.memory_space<vmem>>
        %dma_start3A_206 = tpu.memref_squeeze %dma_start3A_205 : memref<1x128xi32, #tpu.memory_space<vmem>> -> memref<128xi32, #tpu.memory_space<vmem>>
        %dma_start3A_207 = arith.constant 0 : i32
        %dma_start3A_208 = arith.constant 0 : i32
        %dma_start3A_209 = tpu.memref_slice %arg7[%dma_start3A_207, %dma_start3A_208] : memref<10000x128xf32, #tpu.memory_space<vmem_shared>> -> memref<10000x128xf32, #tpu.memory_space<vmem_shared>>
        tpu.enqueue_indirect_dma source(%arg15 : memref<128x128xf32, #tpu.memory_space<vmem>>) target(%dma_start3A_209 : memref<10000x128xf32, #tpu.memory_space<vmem_shared>>) offsets(%dma_start3A_206 : memref<128xi32, #tpu.memory_space<vmem>>) semaphore(%run_scoped3A_203 : memref<!tpu.dma_semaphore, #tpu.memory_space<semaphore_mem>>) {add = true}
        %dma_wait3A_210 = arith.constant 0 : i32
        %dma_wait3A_211 = tpu.memref_slice %arg8[%run_scoped3A_138, %dma_wait3A_210] : memref<3x128xi32, #tpu.memory_space<vmem>> -> memref<1x128xi32, #tpu.memory_space<vmem>>
        %dma_wait3A_212 = tpu.memref_squeeze %dma_wait3A_211 : memref<1x128xi32, #tpu.memory_space<vmem>> -> memref<128xi32, #tpu.memory_space<vmem>>
        %dma_wait3A_213 = arith.constant 0 : i32
        %dma_wait3A_214 = arith.constant 0 : i32
        %dma_wait3A_215 = tpu.memref_slice %arg7[%dma_wait3A_213, %dma_wait3A_214] : memref<10000x128xf32, #tpu.memory_space<vmem_shared>> -> memref<10000x128xf32, #tpu.memory_space<vmem_shared>>
        tpu.wait_indirect_dma semaphore(%run_scoped3A_203 : memref<!tpu.dma_semaphore, #tpu.memory_space<semaphore_mem>>) src(%arg15 : memref<128x128xf32, #tpu.memory_space<vmem>>) dst(%dma_wait3A_215 : memref<10000x128xf32, #tpu.memory_space<vmem_shared>>)
        tpu.yield
      }) : () -> ()
      %add3A_139 = arith.constant 2 : i32
      %add3A_140 = arith.addi %add3A_89, %add3A_139 : i32
      %dma_start3A_141 = arith.constant 0 : i32
      %dma_start3A_142 = arith.constant 0 : i32
      %dma_start3A_143 = tpu.memref_slice %arg3[%add3A, %add3A_140, %dma_start3A_141, %dma_start3A_142] : memref<32x79x3x128xi32, #tpu.memory_space<hbm>> -> memref<1x1x3x128xi32, #tpu.memory_space<hbm>>
      %dma_start3A_144 = tpu.memref_squeeze %dma_start3A_143 : memref<1x1x3x128xi32, #tpu.memory_space<hbm>> -> memref<3x128xi32, #tpu.memory_space<hbm>>
      %dma_start3A_145 = arith.constant 0 : i32
      %dma_start3A_146 = arith.constant 0 : i32
      %dma_start3A_147 = tpu.memref_slice %arg3[%add3A, %add3A_140, %dma_start3A_145, %dma_start3A_146] : memref<32x79x3x128xi32, #tpu.memory_space<hbm>> -> memref<1x1x3x128xi32, #tpu.memory_space<hbm>>
      %dma_start3A_148 = tpu.memref_squeeze %dma_start3A_147 : memref<1x1x3x128xi32, #tpu.memory_space<hbm>> -> memref<3x128xi32, #tpu.memory_space<hbm>>
      tpu.enqueue_dma source(%dma_start3A_148 : memref<3x128xi32, #tpu.memory_space<hbm>>) target(%arg8 : memref<3x128xi32, #tpu.memory_space<vmem>>) target_semaphore(%arg17 : memref<!tpu.dma_semaphore, #tpu.memory_space<semaphore_mem>>)
      %dma_wait3A_149 = arith.constant 0 : i32
      %dma_wait3A_150 = arith.constant 0 : i32
      %dma_wait3A_151 = tpu.memref_slice %arg9[%dma_wait3A_149, %dma_wait3A_150] : memref<3x128xi32, #tpu.memory_space<vmem>> -> memref<1x128xi32, #tpu.memory_space<vmem>>
      %dma_wait3A_152 = tpu.memref_squeeze %dma_wait3A_151 : memref<1x128xi32, #tpu.memory_space<vmem>> -> memref<128xi32, #tpu.memory_space<vmem>>
      %dma_wait3A_153 = arith.constant 0 : i32
      %dma_wait3A_154 = arith.constant 0 : i32
      %dma_wait3A_155 = tpu.memref_slice %arg2[%dma_wait3A_153, %dma_wait3A_154] : memref<80000x128xf32, #tpu.memory_space<hbm>> -> memref<80000x128xf32, #tpu.memory_space<hbm>>
      tpu.wait_indirect_dma semaphore(%arg20 : memref<!tpu.dma_semaphore, #tpu.memory_space<semaphore_mem>>) src(%dma_wait3A_155 : memref<80000x128xf32, #tpu.memory_space<hbm>>) dst(%arg16 : memref<128x128xf32, #tpu.memory_space<vmem>>)
      %dma_wait3A_156 = arith.constant 2 : i32
      %dma_wait3A_157 = arith.constant 0 : i32
      %dma_wait3A_158 = tpu.memref_slice %arg9[%dma_wait3A_156, %dma_wait3A_157] : memref<3x128xi32, #tpu.memory_space<vmem>> -> memref<1x128xi32, #tpu.memory_space<vmem>>
      %dma_wait3A_159 = tpu.memref_squeeze %dma_wait3A_158 : memref<1x128xi32, #tpu.memory_space<vmem>> -> memref<128xi32, #tpu.memory_space<vmem>>
      %dma_wait3A_160 = arith.constant 0 : i32
      %dma_wait3A_161 = tpu.memref_slice %arg4[%dma_wait3A_160] : memref<10016xf32, #tpu.memory_space<hbm>> -> memref<10016xf32, #tpu.memory_space<hbm>>
      tpu.wait_indirect_dma semaphore(%arg22 : memref<!tpu.dma_semaphore, #tpu.memory_space<semaphore_mem>>) src(%dma_wait3A_161 : memref<10016xf32, #tpu.memory_space<hbm>>) dst(%arg11 : memref<128xf32, #tpu.memory_space<vmem>>)
      %dma_wait3A_162 = arith.constant 1 : i32
      %dma_wait3A_163 = arith.constant 0 : i32
      %dma_wait3A_164 = tpu.memref_slice %arg9[%dma_wait3A_162, %dma_wait3A_163] : memref<3x128xi32, #tpu.memory_space<vmem>> -> memref<1x128xi32, #tpu.memory_space<vmem>>
      %dma_wait3A_165 = tpu.memref_squeeze %dma_wait3A_164 : memref<1x128xi32, #tpu.memory_space<vmem>> -> memref<128xi32, #tpu.memory_space<vmem>>
      %dma_wait3A_166 = arith.constant 0 : i32
      %dma_wait3A_167 = tpu.memref_slice %arg4[%dma_wait3A_166] : memref<10016xf32, #tpu.memory_space<hbm>> -> memref<10016xf32, #tpu.memory_space<hbm>>
      tpu.wait_indirect_dma semaphore(%arg24 : memref<!tpu.dma_semaphore, #tpu.memory_space<semaphore_mem>>) src(%dma_wait3A_167 : memref<10016xf32, #tpu.memory_space<hbm>>) dst(%arg13 : memref<128xf32, #tpu.memory_space<vmem>>)
      %add3A_168 = arith.constant 2 : i32
      %add3A_169 = arith.addi %add3A_89, %add3A_168 : i32
      %dma_wait3A_170 = arith.constant 0 : i32
      %dma_wait3A_171 = arith.constant 0 : i32
      %dma_wait3A_172 = tpu.memref_slice %arg3[%add3A, %add3A_169, %dma_wait3A_170, %dma_wait3A_171] : memref<32x79x3x128xi32, #tpu.memory_space<hbm>> -> memref<1x1x3x128xi32, #tpu.memory_space<hbm>>
      %dma_wait3A_173 = tpu.memref_squeeze %dma_wait3A_172 : memref<1x1x3x128xi32, #tpu.memory_space<hbm>> -> memref<3x128xi32, #tpu.memory_space<hbm>>
      %dma_wait3A_174 = arith.constant 0 : i32
      %dma_wait3A_175 = arith.constant 0 : i32
      %dma_wait3A_176 = tpu.memref_slice %arg3[%add3A, %add3A_169, %dma_wait3A_174, %dma_wait3A_175] : memref<32x79x3x128xi32, #tpu.memory_space<hbm>> -> memref<1x1x3x128xi32, #tpu.memory_space<hbm>>
      %dma_wait3A_177 = tpu.memref_squeeze %dma_wait3A_176 : memref<1x1x3x128xi32, #tpu.memory_space<hbm>> -> memref<3x128xi32, #tpu.memory_space<hbm>>
      tpu.wait_dma2 semaphore(%arg17 : memref<!tpu.dma_semaphore, #tpu.memory_space<semaphore_mem>>) src(%dma_wait3A_177 : memref<3x128xi32, #tpu.memory_space<hbm>>) dst(%arg8 : memref<3x128xi32, #tpu.memory_space<vmem>>)
      %dma_start3A_178 = arith.constant 0 : i32
      %dma_start3A_179 = arith.constant 0 : i32
      %dma_start3A_180 = tpu.memref_slice %arg8[%dma_start3A_178, %dma_start3A_179] : memref<3x128xi32, #tpu.memory_space<vmem>> -> memref<1x128xi32, #tpu.memory_space<vmem>>
      %dma_start3A_181 = tpu.memref_squeeze %dma_start3A_180 : memref<1x128xi32, #tpu.memory_space<vmem>> -> memref<128xi32, #tpu.memory_space<vmem>>
      %dma_start3A_182 = arith.constant 0 : i32
      %dma_start3A_183 = arith.constant 0 : i32
      %dma_start3A_184 = tpu.memref_slice %arg2[%dma_start3A_182, %dma_start3A_183] : memref<80000x128xf32, #tpu.memory_space<hbm>> -> memref<80000x128xf32, #tpu.memory_space<hbm>>
      tpu.enqueue_indirect_dma source(%dma_start3A_184 : memref<80000x128xf32, #tpu.memory_space<hbm>>) target(%arg15 : memref<128x128xf32, #tpu.memory_space<vmem>>) offsets(%dma_start3A_181 : memref<128xi32, #tpu.memory_space<vmem>>) semaphore(%arg19 : memref<!tpu.dma_semaphore, #tpu.memory_space<semaphore_mem>>)
      %dma_start3A_185 = arith.constant 2 : i32
      %dma_start3A_186 = arith.constant 0 : i32
      %dma_start3A_187 = tpu.memref_slice %arg8[%dma_start3A_185, %dma_start3A_186] : memref<3x128xi32, #tpu.memory_space<vmem>> -> memref<1x128xi32, #tpu.memory_space<vmem>>
      %dma_start3A_188 = tpu.memref_squeeze %dma_start3A_187 : memref<1x128xi32, #tpu.memory_space<vmem>> -> memref<128xi32, #tpu.memory_space<vmem>>
      %dma_start3A_189 = arith.constant 0 : i32
      %dma_start3A_190 = tpu.memref_slice %arg4[%dma_start3A_189] : memref<10016xf32, #tpu.memory_space<hbm>> -> memref<10016xf32, #tpu.memory_space<hbm>>
      tpu.enqueue_indirect_dma source(%dma_start3A_190 : memref<10016xf32, #tpu.memory_space<hbm>>) target(%arg10 : memref<128xf32, #tpu.memory_space<vmem>>) offsets(%dma_start3A_188 : memref<128xi32, #tpu.memory_space<vmem>>) semaphore(%arg21 : memref<!tpu.dma_semaphore, #tpu.memory_space<semaphore_mem>>)
      %dma_start3A_191 = arith.constant 1 : i32
      %dma_start3A_192 = arith.constant 0 : i32
      %dma_start3A_193 = tpu.memref_slice %arg8[%dma_start3A_191, %dma_start3A_192] : memref<3x128xi32, #tpu.memory_space<vmem>> -> memref<1x128xi32, #tpu.memory_space<vmem>>
      %dma_start3A_194 = tpu.memref_squeeze %dma_start3A_193 : memref<1x128xi32, #tpu.memory_space<vmem>> -> memref<128xi32, #tpu.memory_space<vmem>>
      %dma_start3A_195 = arith.constant 0 : i32
      %dma_start3A_196 = tpu.memref_slice %arg4[%dma_start3A_195] : memref<10016xf32, #tpu.memory_space<hbm>> -> memref<10016xf32, #tpu.memory_space<hbm>>
      tpu.enqueue_indirect_dma source(%dma_start3A_196 : memref<10016xf32, #tpu.memory_space<hbm>>) target(%arg12 : memref<128xf32, #tpu.memory_space<vmem>>) offsets(%dma_start3A_194 : memref<128xi32, #tpu.memory_space<vmem>>) semaphore(%arg23 : memref<!tpu.dma_semaphore, #tpu.memory_space<semaphore_mem>>)
      %run_scoped3A_197 = arith.constant 1 : i32
      "tpu.region"() ({
        %run_scoped3A_203 = tpu.sem_alloc : memref<!tpu.dma_semaphore, #tpu.memory_space<semaphore_mem>>
        %dma_start3A_204 = arith.constant 0 : i32
        %dma_start3A_205 = tpu.memref_slice %arg9[%run_scoped3A_197, %dma_start3A_204] : memref<3x128xi32, #tpu.memory_space<vmem>> -> memref<1x128xi32, #tpu.memory_space<vmem>>
        %dma_start3A_206 = tpu.memref_squeeze %dma_start3A_205 : memref<1x128xi32, #tpu.memory_space<vmem>> -> memref<128xi32, #tpu.memory_space<vmem>>
        %dma_start3A_207 = arith.constant 0 : i32
        %dma_start3A_208 = arith.constant 0 : i32
        %dma_start3A_209 = tpu.memref_slice %arg7[%dma_start3A_207, %dma_start3A_208] : memref<10000x128xf32, #tpu.memory_space<vmem_shared>> -> memref<10000x128xf32, #tpu.memory_space<vmem_shared>>
        tpu.enqueue_indirect_dma source(%arg16 : memref<128x128xf32, #tpu.memory_space<vmem>>) target(%dma_start3A_209 : memref<10000x128xf32, #tpu.memory_space<vmem_shared>>) offsets(%dma_start3A_206 : memref<128xi32, #tpu.memory_space<vmem>>) semaphore(%run_scoped3A_203 : memref<!tpu.dma_semaphore, #tpu.memory_space<semaphore_mem>>) {add = true}
        %dma_wait3A_210 = arith.constant 0 : i32
        %dma_wait3A_211 = tpu.memref_slice %arg9[%run_scoped3A_197, %dma_wait3A_210] : memref<3x128xi32, #tpu.memory_space<vmem>> -> memref<1x128xi32, #tpu.memory_space<vmem>>
        %dma_wait3A_212 = tpu.memref_squeeze %dma_wait3A_211 : memref<1x128xi32, #tpu.memory_space<vmem>> -> memref<128xi32, #tpu.memory_space<vmem>>
        %dma_wait3A_213 = arith.constant 0 : i32
        %dma_wait3A_214 = arith.constant 0 : i32
        %dma_wait3A_215 = tpu.memref_slice %arg7[%dma_wait3A_213, %dma_wait3A_214] : memref<10000x128xf32, #tpu.memory_space<vmem_shared>> -> memref<10000x128xf32, #tpu.memory_space<vmem_shared>>
        tpu.wait_indirect_dma semaphore(%run_scoped3A_203 : memref<!tpu.dma_semaphore, #tpu.memory_space<semaphore_mem>>) src(%arg16 : memref<128x128xf32, #tpu.memory_space<vmem>>) dst(%dma_wait3A_215 : memref<10000x128xf32, #tpu.memory_space<vmem_shared>>)
        tpu.yield
      }) : () -> ()
      %lt3A_198 = arith.constant 76 : i32
      %lt3A_199 = arith.cmpi slt, %add3A_89, %lt3A_198 : i32
      %convert_element_type3A_200 = arith.extui %lt3A_199 : i1 to i32
      %cond3A_201 = arith.constant 0 : i32
      %cond3A_202 = arith.cmpi ne, %convert_element_type3A_200, %cond3A_201 : i32
      scf.if %cond3A_202 {
        %add3A_203 = arith.constant 3 : i32
        %add3A_204 = arith.addi %add3A_89, %add3A_203 : i32
        %dma_start3A_205 = arith.constant 0 : i32
        %dma_start3A_206 = arith.constant 0 : i32
        %dma_start3A_207 = tpu.memref_slice %arg3[%add3A, %add3A_204, %dma_start3A_205, %dma_start3A_206] : memref<32x79x3x128xi32, #tpu.memory_space<hbm>> -> memref<1x1x3x128xi32, #tpu.memory_space<hbm>>
        %dma_start3A_208 = tpu.memref_squeeze %dma_start3A_207 : memref<1x1x3x128xi32, #tpu.memory_space<hbm>> -> memref<3x128xi32, #tpu.memory_space<hbm>>
        %dma_start3A_209 = arith.constant 0 : i32
        %dma_start3A_210 = arith.constant 0 : i32
        %dma_start3A_211 = tpu.memref_slice %arg3[%add3A, %add3A_204, %dma_start3A_209, %dma_start3A_210] : memref<32x79x3x128xi32, #tpu.memory_space<hbm>> -> memref<1x1x3x128xi32, #tpu.memory_space<hbm>>
        %dma_start3A_212 = tpu.memref_squeeze %dma_start3A_211 : memref<1x1x3x128xi32, #tpu.memory_space<hbm>> -> memref<3x128xi32, #tpu.memory_space<hbm>>
        tpu.enqueue_dma source(%dma_start3A_212 : memref<3x128xi32, #tpu.memory_space<hbm>>) target(%arg9 : memref<3x128xi32, #tpu.memory_space<vmem>>) target_semaphore(%arg18 : memref<!tpu.dma_semaphore, #tpu.memory_space<semaphore_mem>>)
      } else {
      }
    }
    %scan3A_54 = arith.constant 39 : i32
    %dma_wait3A_55 = arith.constant 0 : i32
    %dma_wait3A_56 = arith.constant 0 : i32
    %dma_wait3A_57 = tpu.memref_slice %arg8[%dma_wait3A_55, %dma_wait3A_56] : memref<3x128xi32, #tpu.memory_space<vmem>> -> memref<1x128xi32, #tpu.memory_space<vmem>>
    %dma_wait3A_58 = tpu.memref_squeeze %dma_wait3A_57 : memref<1x128xi32, #tpu.memory_space<vmem>> -> memref<128xi32, #tpu.memory_space<vmem>>
    %dma_wait3A_59 = arith.constant 0 : i32
    %dma_wait3A_60 = arith.constant 0 : i32
    %dma_wait3A_61 = tpu.memref_slice %arg2[%dma_wait3A_59, %dma_wait3A_60] : memref<80000x128xf32, #tpu.memory_space<hbm>> -> memref<80000x128xf32, #tpu.memory_space<hbm>>
    tpu.wait_indirect_dma semaphore(%arg19 : memref<!tpu.dma_semaphore, #tpu.memory_space<semaphore_mem>>) src(%dma_wait3A_61 : memref<80000x128xf32, #tpu.memory_space<hbm>>) dst(%arg15 : memref<128x128xf32, #tpu.memory_space<vmem>>)
    %dma_wait3A_62 = arith.constant 2 : i32
    %dma_wait3A_63 = arith.constant 0 : i32
    %dma_wait3A_64 = tpu.memref_slice %arg8[%dma_wait3A_62, %dma_wait3A_63] : memref<3x128xi32, #tpu.memory_space<vmem>> -> memref<1x128xi32, #tpu.memory_space<vmem>>
    %dma_wait3A_65 = tpu.memref_squeeze %dma_wait3A_64 : memref<1x128xi32, #tpu.memory_space<vmem>> -> memref<128xi32, #tpu.memory_space<vmem>>
    %dma_wait3A_66 = arith.constant 0 : i32
    %dma_wait3A_67 = tpu.memref_slice %arg4[%dma_wait3A_66] : memref<10016xf32, #tpu.memory_space<hbm>> -> memref<10016xf32, #tpu.memory_space<hbm>>
    tpu.wait_indirect_dma semaphore(%arg21 : memref<!tpu.dma_semaphore, #tpu.memory_space<semaphore_mem>>) src(%dma_wait3A_67 : memref<10016xf32, #tpu.memory_space<hbm>>) dst(%arg10 : memref<128xf32, #tpu.memory_space<vmem>>)
    %dma_wait3A_68 = arith.constant 1 : i32
    %dma_wait3A_69 = arith.constant 0 : i32
    %dma_wait3A_70 = tpu.memref_slice %arg8[%dma_wait3A_68, %dma_wait3A_69] : memref<3x128xi32, #tpu.memory_space<vmem>> -> memref<1x128xi32, #tpu.memory_space<vmem>>
    %dma_wait3A_71 = tpu.memref_squeeze %dma_wait3A_70 : memref<1x128xi32, #tpu.memory_space<vmem>> -> memref<128xi32, #tpu.memory_space<vmem>>
    %dma_wait3A_72 = arith.constant 0 : i32
    %dma_wait3A_73 = tpu.memref_slice %arg4[%dma_wait3A_72] : memref<10016xf32, #tpu.memory_space<hbm>> -> memref<10016xf32, #tpu.memory_space<hbm>>
    tpu.wait_indirect_dma semaphore(%arg23 : memref<!tpu.dma_semaphore, #tpu.memory_space<semaphore_mem>>) src(%dma_wait3A_73 : memref<10016xf32, #tpu.memory_space<hbm>>) dst(%arg12 : memref<128xf32, #tpu.memory_space<vmem>>)
    %run_scoped3A = arith.constant 1 : i32
    "tpu.region"() ({
      %run_scoped3A_85 = tpu.sem_alloc : memref<!tpu.dma_semaphore, #tpu.memory_space<semaphore_mem>>
      %dma_start3A_86 = arith.constant 0 : i32
      %dma_start3A_87 = tpu.memref_slice %arg8[%run_scoped3A, %dma_start3A_86] : memref<3x128xi32, #tpu.memory_space<vmem>> -> memref<1x128xi32, #tpu.memory_space<vmem>>
      %dma_start3A_88 = tpu.memref_squeeze %dma_start3A_87 : memref<1x128xi32, #tpu.memory_space<vmem>> -> memref<128xi32, #tpu.memory_space<vmem>>
      %dma_start3A_89 = arith.constant 0 : i32
      %dma_start3A_90 = arith.constant 0 : i32
      %dma_start3A_91 = tpu.memref_slice %arg7[%dma_start3A_89, %dma_start3A_90] : memref<10000x128xf32, #tpu.memory_space<vmem_shared>> -> memref<10000x128xf32, #tpu.memory_space<vmem_shared>>
      tpu.enqueue_indirect_dma source(%arg15 : memref<128x128xf32, #tpu.memory_space<vmem>>) target(%dma_start3A_91 : memref<10000x128xf32, #tpu.memory_space<vmem_shared>>) offsets(%dma_start3A_88 : memref<128xi32, #tpu.memory_space<vmem>>) semaphore(%run_scoped3A_85 : memref<!tpu.dma_semaphore, #tpu.memory_space<semaphore_mem>>) {add = true}
      %dma_wait3A_92 = arith.constant 0 : i32
      %dma_wait3A_93 = tpu.memref_slice %arg8[%run_scoped3A, %dma_wait3A_92] : memref<3x128xi32, #tpu.memory_space<vmem>> -> memref<1x128xi32, #tpu.memory_space<vmem>>
      %dma_wait3A_94 = tpu.memref_squeeze %dma_wait3A_93 : memref<1x128xi32, #tpu.memory_space<vmem>> -> memref<128xi32, #tpu.memory_space<vmem>>
      %dma_wait3A_95 = arith.constant 0 : i32
      %dma_wait3A_96 = arith.constant 0 : i32
      %dma_wait3A_97 = tpu.memref_slice %arg7[%dma_wait3A_95, %dma_wait3A_96] : memref<10000x128xf32, #tpu.memory_space<vmem_shared>> -> memref<10000x128xf32, #tpu.memory_space<vmem_shared>>
      tpu.wait_indirect_dma semaphore(%run_scoped3A_85 : memref<!tpu.dma_semaphore, #tpu.memory_space<semaphore_mem>>) src(%arg15 : memref<128x128xf32, #tpu.memory_space<vmem>>) dst(%dma_wait3A_97 : memref<10000x128xf32, #tpu.memory_space<vmem_shared>>)
      tpu.yield
    }) : () -> ()
    %barrier3A_74 = arith.constant 0 : index
    tpu.barrier barrier_id(%barrier3A_74)
    %lt3A_75 = arith.constant 15 : i32
    %lt3A_76 = arith.cmpi slt, %arg1, %lt3A_75 : i32
    %convert_element_type3A_77 = arith.extui %lt3A_76 : i1 to i32
    %cond3A_78 = arith.constant 0 : i32
    %cond3A_79 = arith.cmpi ne, %convert_element_type3A_77, %cond3A_78 : i32
    scf.if %cond3A_79 {
      %mul3A_85 = arith.constant 632 : i32
      %mul3A_86 = arith.muli %arg1, %mul3A_85 : i32
      %mul3A_87 = arith.constant 632 : i32
      %mul3A_88 = arith.muli %arg1, %mul3A_87 : i32
      "tpu.region"() ({
        %run_scoped3A_89 = tpu.sem_alloc : memref<!tpu.dma_semaphore, #tpu.memory_space<semaphore_mem>>
        %dma_start3A_90 = arith.constant 0 : i32
        %dma_start3A_91 = tpu.memref_slice %arg6[%arg0, %mul3A_88, %dma_start3A_90] : memref<2x10000x128xf32, #tpu.memory_space<hbm>> -> memref<1x632x128xf32, #tpu.memory_space<hbm>>
        %dma_start3A_92 = tpu.memref_squeeze %dma_start3A_91 : memref<1x632x128xf32, #tpu.memory_space<hbm>> -> memref<632x128xf32, #tpu.memory_space<hbm>>
        %dma_start3A_93 = arith.constant 0 : i32
        %dma_start3A_94 = tpu.memref_slice %arg7[%mul3A_86, %dma_start3A_93] : memref<10000x128xf32, #tpu.memory_space<vmem_shared>> -> memref<632x128xf32, #tpu.memory_space<vmem_shared>>
        tpu.enqueue_dma source(%dma_start3A_94 : memref<632x128xf32, #tpu.memory_space<vmem_shared>>) target(%dma_start3A_92 : memref<632x128xf32, #tpu.memory_space<hbm>>) target_semaphore(%run_scoped3A_89 : memref<!tpu.dma_semaphore, #tpu.memory_space<semaphore_mem>>)
        %dma_wait3A_95 = arith.constant 0 : i32
        %dma_wait3A_96 = tpu.memref_slice %arg6[%arg0, %mul3A_88, %dma_wait3A_95] : memref<2x10000x128xf32, #tpu.memory_space<hbm>> -> memref<1x632x128xf32, #tpu.memory_space<hbm>>
        %dma_wait3A_97 = tpu.memref_squeeze %dma_wait3A_96 : memref<1x632x128xf32, #tpu.memory_space<hbm>> -> memref<632x128xf32, #tpu.memory_space<hbm>>
        %dma_wait3A_98 = arith.constant 0 : i32
        %dma_wait3A_99 = tpu.memref_slice %arg7[%mul3A_86, %dma_wait3A_98] : memref<10000x128xf32, #tpu.memory_space<vmem_shared>> -> memref<632x128xf32, #tpu.memory_space<vmem_shared>>
        tpu.wait_dma2 semaphore(%run_scoped3A_89 : memref<!tpu.dma_semaphore, #tpu.memory_space<semaphore_mem>>) src(%dma_wait3A_99 : memref<632x128xf32, #tpu.memory_space<vmem_shared>>) dst(%dma_wait3A_97 : memref<632x128xf32, #tpu.memory_space<hbm>>)
        tpu.yield
      }) : () -> ()
    } else {
    }
    %eq3A_80 = arith.constant 15 : i32
    %eq3A_81 = arith.cmpi eq, %arg1, %eq3A_80 : i32
    %convert_element_type3A_82 = arith.extui %eq3A_81 : i1 to i32
    %cond3A_83 = arith.constant 0 : i32
    %cond3A_84 = arith.cmpi ne, %convert_element_type3A_82, %cond3A_83 : i32
    scf.if %cond3A_84 {
      "tpu.region"() ({
        %run_scoped3A_85 = tpu.sem_alloc : memref<!tpu.dma_semaphore, #tpu.memory_space<semaphore_mem>>
        %dma_start3A_86 = arith.constant 9480 : i32
        %dma_start3A_87 = arith.constant 0 : i32
        %dma_start3A_88 = tpu.memref_slice %arg6[%arg0, %dma_start3A_86, %dma_start3A_87] : memref<2x10000x128xf32, #tpu.memory_space<hbm>> -> memref<1x520x128xf32, #tpu.memory_space<hbm>>
        %dma_start3A_89 = tpu.memref_squeeze %dma_start3A_88 : memref<1x520x128xf32, #tpu.memory_space<hbm>> -> memref<520x128xf32, #tpu.memory_space<hbm>>
        %dma_start3A_90 = arith.constant 9480 : i32
        %dma_start3A_91 = arith.constant 0 : i32
        %dma_start3A_92 = tpu.memref_slice %arg7[%dma_start3A_90, %dma_start3A_91] : memref<10000x128xf32, #tpu.memory_space<vmem_shared>> -> memref<520x128xf32, #tpu.memory_space<vmem_shared>>
        tpu.enqueue_dma source(%dma_start3A_92 : memref<520x128xf32, #tpu.memory_space<vmem_shared>>) target(%dma_start3A_89 : memref<520x128xf32, #tpu.memory_space<hbm>>) target_semaphore(%run_scoped3A_85 : memref<!tpu.dma_semaphore, #tpu.memory_space<semaphore_mem>>)
        %dma_wait3A_93 = arith.constant 9480 : i32
        %dma_wait3A_94 = arith.constant 0 : i32
        %dma_wait3A_95 = tpu.memref_slice %arg6[%arg0, %dma_wait3A_93, %dma_wait3A_94] : memref<2x10000x128xf32, #tpu.memory_space<hbm>> -> memref<1x520x128xf32, #tpu.memory_space<hbm>>
        %dma_wait3A_96 = tpu.memref_squeeze %dma_wait3A_95 : memref<1x520x128xf32, #tpu.memory_space<hbm>> -> memref<520x128xf32, #tpu.memory_space<hbm>>
        %dma_wait3A_97 = arith.constant 9480 : i32
        %dma_wait3A_98 = arith.constant 0 : i32
        %dma_wait3A_99 = tpu.memref_slice %arg7[%dma_wait3A_97, %dma_wait3A_98] : memref<10000x128xf32, #tpu.memory_space<vmem_shared>> -> memref<520x128xf32, #tpu.memory_space<vmem_shared>>
        tpu.wait_dma2 semaphore(%run_scoped3A_85 : memref<!tpu.dma_semaphore, #tpu.memory_space<semaphore_mem>>) src(%dma_wait3A_99 : memref<520x128xf32, #tpu.memory_space<vmem_shared>>) dst(%dma_wait3A_96 : memref<520x128xf32, #tpu.memory_space<hbm>>)
        tpu.yield
      }) : () -> ()
    } else {
    }
    return
  }
}

module attributes {stable_mosaic.version = 14 : i64} {
  func.func @_phase_a_body(%arg0: i32, %arg1: memref<2000x128xf32, #tpu.memory_space<vmem>>, %arg2: memref<128x1024xf32, #tpu.memory_space<vmem>>, %arg3: memref<8x2000x128xf32, #tpu.memory_space<vmem>>, %arg4: memref<2000x1xf32, #tpu.memory_space<vmem>>) attributes {dimension_semantics = [#tpu.dimension_semantics<arbitrary>], iteration_bounds = array<i64: 5>, scalar_prefetch = 0 : i64, scratch_operands = 0 : i64, tpu.core_type = #tpu.core_type<tc>, window_params = [{transform_indices = @transform_0, window_bounds = array<i64: 2000, 128>}, {pipeline_mode = #tpu.pipeline_mode<synchronous>, transform_indices = @transform_1, window_bounds = array<i64: 128, 1024>}, {transform_indices = @transform_2, window_bounds = array<i64: 8, 2000, 128>}, {transform_indices = @transform_3, window_bounds = array<i64: 2000, 1>}]} {
    %get3A = arith.constant 0 : index
    %get3A_0 = arith.constant 0 : index
    %get3A_1 = vector.load %arg1[%get3A, %get3A_0] : memref<2000x128xf32, #tpu.memory_space<vmem>>, vector<2000x128xf32>
    %mul3A = arith.mulf %get3A_1, %get3A_1 : vector<2000x128xf32>
    %reduce_sum3A = arith.constant dense<0.000000e+00> : vector<2000xf32>
    %reduce_sum3A_2 = vector.multi_reduction <add>, %mul3A, %reduce_sum3A [1] : vector<2000x128xf32> to vector<2000xf32>
    %broadcast_in_dim3A = vector.shape_cast %reduce_sum3A_2 : vector<2000xf32> to vector<2000x1xf32>
    %sqrt3A = math.sqrt %broadcast_in_dim3A : vector<2000x1xf32>
    %max3A = arith.constant 1.000000e-10 : f32
    %max3A_3 = vector.broadcast %max3A : f32 to vector<2000x1xf32>
    %max3A_4 = arith.maximumf %sqrt3A, %max3A_3 : vector<2000x1xf32>
    %mul3A_5 = arith.constant 1.000000e-01 : f32
    %mul3A_6 = vector.broadcast %mul3A_5 : f32 to vector<2000x1xf32>
    %mul3A_7 = arith.mulf %mul3A_6, %max3A_4 : vector<2000x1xf32>
    %jit3A = arith.constant -0.99999988 : f32
    %jit3A_8 = arith.constant 0.99999988 : f32
    %max3A_9 = vector.broadcast %jit3A : f32 to vector<2000x1xf32>
    %max3A_10 = arith.maximumf %max3A_9, %mul3A_7 : vector<2000x1xf32>
    %min3A = vector.broadcast %jit3A_8 : f32 to vector<2000x1xf32>
    %min3A_11 = arith.minimumf %min3A, %max3A_10 : vector<2000x1xf32>
    %add3A = arith.constant 1.000000e+00 : f32
    %add3A_12 = vector.broadcast %add3A : f32 to vector<2000x1xf32>
    %add3A_13 = arith.addf %add3A_12, %min3A_11 : vector<2000x1xf32>
    %sub3A = arith.constant 1.000000e+00 : f32
    %sub3A_14 = vector.broadcast %sub3A : f32 to vector<2000x1xf32>
    %sub3A_15 = arith.subf %sub3A_14, %min3A_11 : vector<2000x1xf32>
    %div3A = arith.divf %add3A_13, %sub3A_15 : vector<2000x1xf32>
    %log3A = math.log %div3A : vector<2000x1xf32>
    %mul3A_16 = arith.constant 5.000000e-01 : f32
    %mul3A_17 = vector.broadcast %mul3A_16 : f32 to vector<2000x1xf32>
    %mul3A_18 = arith.mulf %mul3A_17, %log3A : vector<2000x1xf32>
    %mul3A_19 = arith.constant 1.000000e-01 : f32
    %mul3A_20 = vector.broadcast %mul3A_19 : f32 to vector<2000x1xf32>
    %mul3A_21 = arith.mulf %mul3A_20, %max3A_4 : vector<2000x1xf32>
    %div3A_22 = arith.divf %mul3A_18, %mul3A_21 : vector<2000x1xf32>
    %mul3A_23 = vector.broadcast %div3A_22 : vector<2000x1xf32> to vector<2000x128xf32>
    %mul3A_24 = arith.mulf %get3A_1, %mul3A_23 : vector<2000x128xf32>
    %mul3A_25 = arith.constant 2.000000e+01 : f32
    %mul3A_26 = vector.broadcast %mul3A_25 : f32 to vector<2000x1xf32>
    %mul3A_27 = arith.mulf %mul3A_26, %mul3A_18 : vector<2000x1xf32>
    %swap3A = arith.constant 0 : index
    %swap3A_28 = arith.constant 0 : index
    %swap3A_29 = vector.load %arg4[%swap3A, %swap3A_28] : memref<2000x1xf32, #tpu.memory_space<vmem>>, vector<2000x1xf32>
    tpu.vector_store %arg4[%swap3A, %swap3A_28], %mul3A_27 {strides = array<i32>} : memref<2000x1xf32, #tpu.memory_space<vmem>>, vector<2000x1xf32>,
    %get3A_30 = arith.constant 0 : index
    %get3A_31 = arith.constant 0 : index
    %get3A_32 = vector.load %arg2[%get3A_30, %get3A_31] : memref<128x1024xf32, #tpu.memory_space<vmem>>, vector<128x1024xf32>
    %slice3A = vector.extract_strided_slice %get3A_32 {offsets = [0, 0], sizes = [128, 128], strides = [1, 1]} : vector<128x1024xf32> to vector<128x128xf32>
    %dot_general3A = arith.constant dense<0.000000e+00> : vector<2000x128xf32>
    %dot_general3A_33 = tpu.matmul %mul3A_24, %slice3A, %dot_general3A {dimension_numbers = #tpu.dot_dimension_numbers<[1], [0], [0], [1], [0, 0, 1, 1], [], []>, precision = #tpu.contract_precision<fp32>, transpose_lhs_hint = false} : vector<2000x128xf32>, vector<128x128xf32>, vector<2000x128xf32> -> vector<2000x128xf32>
    %swap3A_34 = arith.constant 0 : index
    %swap3A_35 = arith.constant 0 : index
    %swap3A_36 = arith.constant 0 : index
    %swap3A_37 = vector.load %arg3[%swap3A_34, %swap3A_35, %swap3A_36] : memref<8x2000x128xf32, #tpu.memory_space<vmem>>, vector<1x2000x128xf32>
    %swap3A_38 = vector.shape_cast %swap3A_37 : vector<1x2000x128xf32> to vector<2000x128xf32>
    %swap3A_39 = vector.shape_cast %dot_general3A_33 : vector<2000x128xf32> to vector<1x2000x128xf32>
    tpu.vector_store %arg3[%swap3A_34, %swap3A_35, %swap3A_36], %swap3A_39 {strides = array<i32>} : memref<8x2000x128xf32, #tpu.memory_space<vmem>>, vector<1x2000x128xf32>,
    %slice3A_40 = vector.extract_strided_slice %get3A_32 {offsets = [0, 128], sizes = [128, 128], strides = [1, 1]} : vector<128x1024xf32> to vector<128x128xf32>
    %dot_general3A_41 = arith.constant dense<0.000000e+00> : vector<2000x128xf32>
    %dot_general3A_42 = tpu.matmul %mul3A_24, %slice3A_40, %dot_general3A_41 {dimension_numbers = #tpu.dot_dimension_numbers<[1], [0], [0], [1], [0, 0, 1, 1], [], []>, precision = #tpu.contract_precision<fp32>, transpose_lhs_hint = false} : vector<2000x128xf32>, vector<128x128xf32>, vector<2000x128xf32> -> vector<2000x128xf32>
    %swap3A_43 = arith.constant 1 : index
    %swap3A_44 = arith.constant 0 : index
    %swap3A_45 = arith.constant 0 : index
    %swap3A_46 = vector.load %arg3[%swap3A_43, %swap3A_44, %swap3A_45] : memref<8x2000x128xf32, #tpu.memory_space<vmem>>, vector<1x2000x128xf32>
    %swap3A_47 = vector.shape_cast %swap3A_46 : vector<1x2000x128xf32> to vector<2000x128xf32>
    %swap3A_48 = vector.shape_cast %dot_general3A_42 : vector<2000x128xf32> to vector<1x2000x128xf32>
    tpu.vector_store %arg3[%swap3A_43, %swap3A_44, %swap3A_45], %swap3A_48 {strides = array<i32>} : memref<8x2000x128xf32, #tpu.memory_space<vmem>>, vector<1x2000x128xf32>,
    %slice3A_49 = vector.extract_strided_slice %get3A_32 {offsets = [0, 256], sizes = [128, 128], strides = [1, 1]} : vector<128x1024xf32> to vector<128x128xf32>
    %dot_general3A_50 = arith.constant dense<0.000000e+00> : vector<2000x128xf32>
    %dot_general3A_51 = tpu.matmul %mul3A_24, %slice3A_49, %dot_general3A_50 {dimension_numbers = #tpu.dot_dimension_numbers<[1], [0], [0], [1], [0, 0, 1, 1], [], []>, precision = #tpu.contract_precision<fp32>, transpose_lhs_hint = false} : vector<2000x128xf32>, vector<128x128xf32>, vector<2000x128xf32> -> vector<2000x128xf32>
    %swap3A_52 = arith.constant 2 : index
    %swap3A_53 = arith.constant 0 : index
    %swap3A_54 = arith.constant 0 : index
    %swap3A_55 = vector.load %arg3[%swap3A_52, %swap3A_53, %swap3A_54] : memref<8x2000x128xf32, #tpu.memory_space<vmem>>, vector<1x2000x128xf32>
    %swap3A_56 = vector.shape_cast %swap3A_55 : vector<1x2000x128xf32> to vector<2000x128xf32>
    %swap3A_57 = vector.shape_cast %dot_general3A_51 : vector<2000x128xf32> to vector<1x2000x128xf32>
    tpu.vector_store %arg3[%swap3A_52, %swap3A_53, %swap3A_54], %swap3A_57 {strides = array<i32>} : memref<8x2000x128xf32, #tpu.memory_space<vmem>>, vector<1x2000x128xf32>,
    %slice3A_58 = vector.extract_strided_slice %get3A_32 {offsets = [0, 384], sizes = [128, 128], strides = [1, 1]} : vector<128x1024xf32> to vector<128x128xf32>
    %dot_general3A_59 = arith.constant dense<0.000000e+00> : vector<2000x128xf32>
    %dot_general3A_60 = tpu.matmul %mul3A_24, %slice3A_58, %dot_general3A_59 {dimension_numbers = #tpu.dot_dimension_numbers<[1], [0], [0], [1], [0, 0, 1, 1], [], []>, precision = #tpu.contract_precision<fp32>, transpose_lhs_hint = false} : vector<2000x128xf32>, vector<128x128xf32>, vector<2000x128xf32> -> vector<2000x128xf32>
    %swap3A_61 = arith.constant 3 : index
    %swap3A_62 = arith.constant 0 : index
    %swap3A_63 = arith.constant 0 : index
    %swap3A_64 = vector.load %arg3[%swap3A_61, %swap3A_62, %swap3A_63] : memref<8x2000x128xf32, #tpu.memory_space<vmem>>, vector<1x2000x128xf32>
    %swap3A_65 = vector.shape_cast %swap3A_64 : vector<1x2000x128xf32> to vector<2000x128xf32>
    %swap3A_66 = vector.shape_cast %dot_general3A_60 : vector<2000x128xf32> to vector<1x2000x128xf32>
    tpu.vector_store %arg3[%swap3A_61, %swap3A_62, %swap3A_63], %swap3A_66 {strides = array<i32>} : memref<8x2000x128xf32, #tpu.memory_space<vmem>>, vector<1x2000x128xf32>,
    %slice3A_67 = vector.extract_strided_slice %get3A_32 {offsets = [0, 512], sizes = [128, 128], strides = [1, 1]} : vector<128x1024xf32> to vector<128x128xf32>
    %dot_general3A_68 = arith.constant dense<0.000000e+00> : vector<2000x128xf32>
    %dot_general3A_69 = tpu.matmul %mul3A_24, %slice3A_67, %dot_general3A_68 {dimension_numbers = #tpu.dot_dimension_numbers<[1], [0], [0], [1], [0, 0, 1, 1], [], []>, precision = #tpu.contract_precision<fp32>, transpose_lhs_hint = false} : vector<2000x128xf32>, vector<128x128xf32>, vector<2000x128xf32> -> vector<2000x128xf32>
    %swap3A_70 = arith.constant 4 : index
    %swap3A_71 = arith.constant 0 : index
    %swap3A_72 = arith.constant 0 : index
    %swap3A_73 = vector.load %arg3[%swap3A_70, %swap3A_71, %swap3A_72] : memref<8x2000x128xf32, #tpu.memory_space<vmem>>, vector<1x2000x128xf32>
    %swap3A_74 = vector.shape_cast %swap3A_73 : vector<1x2000x128xf32> to vector<2000x128xf32>
    %swap3A_75 = vector.shape_cast %dot_general3A_69 : vector<2000x128xf32> to vector<1x2000x128xf32>
    tpu.vector_store %arg3[%swap3A_70, %swap3A_71, %swap3A_72], %swap3A_75 {strides = array<i32>} : memref<8x2000x128xf32, #tpu.memory_space<vmem>>, vector<1x2000x128xf32>,
    %slice3A_76 = vector.extract_strided_slice %get3A_32 {offsets = [0, 640], sizes = [128, 128], strides = [1, 1]} : vector<128x1024xf32> to vector<128x128xf32>
    %dot_general3A_77 = arith.constant dense<0.000000e+00> : vector<2000x128xf32>
    %dot_general3A_78 = tpu.matmul %mul3A_24, %slice3A_76, %dot_general3A_77 {dimension_numbers = #tpu.dot_dimension_numbers<[1], [0], [0], [1], [0, 0, 1, 1], [], []>, precision = #tpu.contract_precision<fp32>, transpose_lhs_hint = false} : vector<2000x128xf32>, vector<128x128xf32>, vector<2000x128xf32> -> vector<2000x128xf32>
    %swap3A_79 = arith.constant 5 : index
    %swap3A_80 = arith.constant 0 : index
    %swap3A_81 = arith.constant 0 : index
    %swap3A_82 = vector.load %arg3[%swap3A_79, %swap3A_80, %swap3A_81] : memref<8x2000x128xf32, #tpu.memory_space<vmem>>, vector<1x2000x128xf32>
    %swap3A_83 = vector.shape_cast %swap3A_82 : vector<1x2000x128xf32> to vector<2000x128xf32>
    %swap3A_84 = vector.shape_cast %dot_general3A_78 : vector<2000x128xf32> to vector<1x2000x128xf32>
    tpu.vector_store %arg3[%swap3A_79, %swap3A_80, %swap3A_81], %swap3A_84 {strides = array<i32>} : memref<8x2000x128xf32, #tpu.memory_space<vmem>>, vector<1x2000x128xf32>,
    %slice3A_85 = vector.extract_strided_slice %get3A_32 {offsets = [0, 768], sizes = [128, 128], strides = [1, 1]} : vector<128x1024xf32> to vector<128x128xf32>
    %dot_general3A_86 = arith.constant dense<0.000000e+00> : vector<2000x128xf32>
    %dot_general3A_87 = tpu.matmul %mul3A_24, %slice3A_85, %dot_general3A_86 {dimension_numbers = #tpu.dot_dimension_numbers<[1], [0], [0], [1], [0, 0, 1, 1], [], []>, precision = #tpu.contract_precision<fp32>, transpose_lhs_hint = false} : vector<2000x128xf32>, vector<128x128xf32>, vector<2000x128xf32> -> vector<2000x128xf32>
    %swap3A_88 = arith.constant 6 : index
    %swap3A_89 = arith.constant 0 : index
    %swap3A_90 = arith.constant 0 : index
    %swap3A_91 = vector.load %arg3[%swap3A_88, %swap3A_89, %swap3A_90] : memref<8x2000x128xf32, #tpu.memory_space<vmem>>, vector<1x2000x128xf32>
    %swap3A_92 = vector.shape_cast %swap3A_91 : vector<1x2000x128xf32> to vector<2000x128xf32>
    %swap3A_93 = vector.shape_cast %dot_general3A_87 : vector<2000x128xf32> to vector<1x2000x128xf32>
    tpu.vector_store %arg3[%swap3A_88, %swap3A_89, %swap3A_90], %swap3A_93 {strides = array<i32>} : memref<8x2000x128xf32, #tpu.memory_space<vmem>>, vector<1x2000x128xf32>,
    %slice3A_94 = vector.extract_strided_slice %get3A_32 {offsets = [0, 896], sizes = [128, 128], strides = [1, 1]} : vector<128x1024xf32> to vector<128x128xf32>
    %dot_general3A_95 = arith.constant dense<0.000000e+00> : vector<2000x128xf32>
    %dot_general3A_96 = tpu.matmul %mul3A_24, %slice3A_94, %dot_general3A_95 {dimension_numbers = #tpu.dot_dimension_numbers<[1], [0], [0], [1], [0, 0, 1, 1], [], []>, precision = #tpu.contract_precision<fp32>, transpose_lhs_hint = false} : vector<2000x128xf32>, vector<128x128xf32>, vector<2000x128xf32> -> vector<2000x128xf32>
    %swap3A_97 = arith.constant 7 : index
    %swap3A_98 = arith.constant 0 : index
    %swap3A_99 = arith.constant 0 : index
    %swap3A_100 = vector.load %arg3[%swap3A_97, %swap3A_98, %swap3A_99] : memref<8x2000x128xf32, #tpu.memory_space<vmem>>, vector<1x2000x128xf32>
    %swap3A_101 = vector.shape_cast %swap3A_100 : vector<1x2000x128xf32> to vector<2000x128xf32>
    %swap3A_102 = vector.shape_cast %dot_general3A_96 : vector<2000x128xf32> to vector<1x2000x128xf32>
    tpu.vector_store %arg3[%swap3A_97, %swap3A_98, %swap3A_99], %swap3A_102 {strides = array<i32>} : memref<8x2000x128xf32, #tpu.memory_space<vmem>>, vector<1x2000x128xf32>,
    return
  }
  func.func @transform_0(%arg0: i32) -> (i32, i32) {
    %c0_i32 = arith.constant 0 : i32
    %c0_i32_0 = arith.constant 0 : i32
    return %arg0, %c0_i32 : i32, i32
  }
  func.func @transform_1(%arg0: i32) -> (i32, i32) {
    %c0_i32 = arith.constant 0 : i32
    %c0_i32_0 = arith.constant 0 : i32
    %c0_i32_1 = arith.constant 0 : i32
    return %c0_i32, %c0_i32_0 : i32, i32
  }
  func.func @transform_2(%arg0: i32) -> (i32, i32, i32) {
    %c0_i32 = arith.constant 0 : i32
    %c0_i32_0 = arith.constant 0 : i32
    %c0_i32_1 = arith.constant 0 : i32
    return %c0_i32, %arg0, %c0_i32_0 : i32, i32, i32
  }
  func.func @transform_3(%arg0: i32) -> (i32, i32) {
    %c0_i32 = arith.constant 0 : i32
    %c0_i32_0 = arith.constant 0 : i32
    return %arg0, %c0_i32 : i32, i32
  }
}

module attributes {stable_mosaic.version = 14 : i64} {
  func.func @_phase_c_body(%arg0: i32, %arg1: memref<2x2000x128xf32, #tpu.memory_space<vmem>>, %arg2: memref<2000x1xf32, #tpu.memory_space<vmem>>, %arg3: memref<2000x128xf32, #tpu.memory_space<vmem>>) attributes {dimension_semantics = [#tpu.dimension_semantics<arbitrary>], iteration_bounds = array<i64: 5>, scalar_prefetch = 0 : i64, scratch_operands = 0 : i64, tpu.core_type = #tpu.core_type<tc>, window_params = [{transform_indices = @transform_0, window_bounds = array<i64: 2, 2000, 128>}, {transform_indices = @transform_1, window_bounds = array<i64: 2000, 1>}, {transform_indices = @transform_2, window_bounds = array<i64: 2000, 128>}]} {
    %get3A = arith.constant 0 : index
    %get3A_0 = arith.constant 0 : index
    %get3A_1 = arith.constant 0 : index
    %get3A_2 = vector.load %arg1[%get3A, %get3A_0, %get3A_1] : memref<2x2000x128xf32, #tpu.memory_space<vmem>>, vector<1x2000x128xf32>
    %get3A_3 = vector.shape_cast %get3A_2 : vector<1x2000x128xf32> to vector<2000x128xf32>
    %get3A_4 = arith.constant 1 : index
    %get3A_5 = arith.constant 0 : index
    %get3A_6 = arith.constant 0 : index
    %get3A_7 = vector.load %arg1[%get3A_4, %get3A_5, %get3A_6] : memref<2x2000x128xf32, #tpu.memory_space<vmem>>, vector<1x2000x128xf32>
    %get3A_8 = vector.shape_cast %get3A_7 : vector<1x2000x128xf32> to vector<2000x128xf32>
    %add3A = arith.addf %get3A_3, %get3A_8 : vector<2000x128xf32>
    %get3A_9 = arith.constant 0 : index
    %get3A_10 = arith.constant 0 : index
    %get3A_11 = vector.load %arg2[%get3A_9, %get3A_10] : memref<2000x1xf32, #tpu.memory_space<vmem>>, vector<2000x1xf32>
    %mul3A = vector.broadcast %get3A_11 : vector<2000x1xf32> to vector<2000x128xf32>
    %mul3A_12 = arith.mulf %add3A, %mul3A : vector<2000x128xf32>
    %mul3A_13 = arith.mulf %mul3A_12, %mul3A_12 : vector<2000x128xf32>
    %reduce_sum3A = arith.constant dense<0.000000e+00> : vector<2000xf32>
    %reduce_sum3A_14 = vector.multi_reduction <add>, %mul3A_13, %reduce_sum3A [1] : vector<2000x128xf32> to vector<2000xf32>
    %broadcast_in_dim3A = vector.shape_cast %reduce_sum3A_14 : vector<2000xf32> to vector<2000x1xf32>
    %sqrt3A = math.sqrt %broadcast_in_dim3A : vector<2000x1xf32>
    %max3A = arith.constant 1.000000e-10 : f32
    %max3A_15 = vector.broadcast %max3A : f32 to vector<2000x1xf32>
    %max3A_16 = arith.maximumf %sqrt3A, %max3A_15 : vector<2000x1xf32>
    %mul3A_17 = arith.constant 1.000000e-01 : f32
    %mul3A_18 = vector.broadcast %mul3A_17 : f32 to vector<2000x1xf32>
    %mul3A_19 = arith.mulf %mul3A_18, %max3A_16 : vector<2000x1xf32>
    %tanh3A = math.tanh %mul3A_19 : vector<2000x1xf32>
    %mul3A_20 = vector.broadcast %tanh3A : vector<2000x1xf32> to vector<2000x128xf32>
    %mul3A_21 = arith.mulf %mul3A_20, %mul3A_12 : vector<2000x128xf32>
    %mul3A_22 = arith.constant 1.000000e-01 : f32
    %mul3A_23 = vector.broadcast %mul3A_22 : f32 to vector<2000x1xf32>
    %mul3A_24 = arith.mulf %mul3A_23, %max3A_16 : vector<2000x1xf32>
    %div3A = vector.broadcast %mul3A_24 : vector<2000x1xf32> to vector<2000x128xf32>
    %div3A_25 = arith.divf %mul3A_21, %div3A : vector<2000x128xf32>
    %swap3A = arith.constant 0 : index
    %swap3A_26 = arith.constant 0 : index
    %swap3A_27 = vector.load %arg3[%swap3A, %swap3A_26] : memref<2000x128xf32, #tpu.memory_space<vmem>>, vector<2000x128xf32>
    tpu.vector_store %arg3[%swap3A, %swap3A_26], %div3A_25 {strides = array<i32>} : memref<2000x128xf32, #tpu.memory_space<vmem>>, vector<2000x128xf32>,
    return
  }
  func.func @transform_0(%arg0: i32) -> (i32, i32, i32) {
    %c0_i32 = arith.constant 0 : i32
    %c0_i32_0 = arith.constant 0 : i32
    %c0_i32_1 = arith.constant 0 : i32
    return %c0_i32, %arg0, %c0_i32_0 : i32, i32, i32
  }
  func.func @transform_1(%arg0: i32) -> (i32, i32) {
    %c0_i32 = arith.constant 0 : i32
    %c0_i32_0 = arith.constant 0 : i32
    return %arg0, %c0_i32 : i32, i32
  }
  func.func @transform_2(%arg0: i32) -> (i32, i32) {
    %c0_i32 = arith.constant 0 : i32
    %c0_i32_0 = arith.constant 0 : i32
    return %arg0, %c0_i32 : i32, i32
  }
}

</mosaic_0001>

<sc_bundles>
// kernel: kernel.5.cloned.1.call-start
scs
__scs_entry_jumppad:
0x0: {  	(pc) =	sbr.rel $0x88, $3  }
0x1: {  	(tag) =	ssettag $0x0;
	lr =	simm.s32 $0x1  }
0x2: {  	[smem:$0x3F9C] =	sst lr;
	_ =	strace $0xD0000000  }
0x3: {  	_ = 	snop  }
0x4: {  	_ = 	snop  }
0x5: {  	_ = 	snop  }
0x6: {  	_ = 	snop  }
0x7: {  	_ = 	snop  }
__scs_overlays_trampoline_lowered:
0x8: {  	[smem:$0x3FAB] =	sst s0  }
0x9: {  	[smem:$0x3FAC] =	sst s1  }
0xa: {  	[smem:$0x3FAD] =	sst s2  }
0xb: {  	[smem:$0x3FAE] =	sst s3  }
0xc: {  	[smem:$0x3FAF] =	sst s4  }
0xd: {  	[smem:$0x3FB0] =	sst s5  }
0xe: {  	[smem:$0x3FB1] =	sst s6  }
0xf: {  	[smem:$0x3FB2] =	sst s7  }
0x10: {  	[smem:$0x3FB3] =	sst s8  }
0x11: {  	[smem:$0x3FB4] =	sst s9;
	s0 =	simm.s32 @!p0 $0x0  }
0x12: {  	s1 =	sld [smem:$0x3F9A];
	s0 =	simm.s32 @p0 $0x1  }
0x13: {  	[smem:$0x3FB5] =	sst s0;
	s0 =	simm.s32 @!p1 $0x0  }
0x14: {  	s2 =	sld [smem:$0x3F99];
	s0 =	simm.s32 @p1 $0x1  }
0x15: {  	[smem:$0x3FB6] =	sst s0;
	s0 =	simm.s32 @!p2 $0x0  }
0x16: {  	s3 =	sld [smem:$0x3FDB];
	s0 =	simm.s32 @p2 $0x1  }
0x17: {  	s4 =	simm.s32 $0x1BF5;
	[smem:$0x3FB8] =	sst s0  }
0x18: {  	s0 =	sld [smem:$0x3F9B];
	_ =	swait.ge [sflag:s4], $0x0  }
0x19: {  	s7 =	sld [smem:$0x3F9C]  }
0x1a: {  	s8 =	sadd.s32 $0xFFFFE003, lr  }
0x1b: {  	s9 =	sadd.s32 $0xFFFFFEF7, lr;
	s5 =	simm.s32 $0xFFFFFFFF;
	p2 =	slt.u32 s8, $0xFFFFF086  }
0x1c: {  	p1 =	slt.u32 s9, $0xF7A;
	s5 =	simm.s32 @!p2 $0x0  }
0x1d: {  	s5 =	simm.s32 @p1 $0x1;
	p0 =	seq.s32 s7, s2  }
0x1e: {  	s7 =	smul.u32 @!p0 $0xF7A, s2;
	p2 =	seq.s32 @!p0 s5, $0x0  }
0x1f: {  	s9 =	smul.u32 $0xF7A, s1;
	s8 =	simm.s32 @!p0 $0x1BF5;
	p2 =	por !p2, p0  }
0x20: {  	[sflag:s8] =	ssyncset.s32 @!p0 $0xFFFFF086;
	s6 =	sadd.s32 @!p0 s3, s7;
	s7 =	simm.s32 @!p0 $0x108  }
0x21: {  	s3 =	sadd.s32 s3, s9;
	s6 =	sadd.s32 @!p0 $0x88, s6;
	s7 =	simm.s32 @p2 $0x1082  }
0x22: {  	[simem:s7], [sflag:s8] =	dma.local @!p0 [hbm:s6], $0xF7A  }
0x23: {  	s9 =	sor.u32 $0xD0000000, s2;
	s6 =	simm.s32 $0x108;
	_ =	swait.ge @!p0 [sflag:s8], $0x0  }
0x24: {  	s3 =	sadd.s32 $0x88, s3;
	s6 =	simm.s32 @!p1 $0x1082;
	[sflag:s4] =	ssyncset.s32 $0xFFFFF086  }
0x25: {  	[simem:s6], [sflag:s4] =	dma.local [hbm:s3], $0xF7A  }
0x26: {  	[smem:$0x3F9C] =	sst s1;
	(tag) =	ssettag s2;
	_ =	strace s9  }
0x27: {  	s1 =	sld [smem:$0x3FAC]  }
0x28: {  	s2 =	sld [smem:$0x3FAD]  }
0x29: {  	s4 =	sld [smem:$0x3FAF]  }
0x2a: {  	p0 =	seq.s32 s5, $0x0;
	s5 =	sld [smem:$0x3FB0]  }
0x2b: {  	s6 =	sld [smem:$0x3FB1]  }
0x2c: {  	s7 =	sld [smem:$0x3FB2]  }
0x2d: {  	s3 =	simm.s32 $0x108;
	s8 =	sld [smem:$0x3FB3]  }
0x2e: {  	s3 =	simm.s32 @!p0 $0x1082;
	s9 =	sld [smem:$0x3FB4]  }
0x2f: {  	lr =	sadd.s32 s0, s3;
	s0 =	sld [smem:$0x3FAB]  }
0x30: {  	s3 =	sld [smem:$0x3FAE]  }
0x31: {  	[smem:$0x3FB7] =	sst s10  }
0x32: {  	s10 =	sld [smem:$0x3FB5];
	_ =	sdelay $0x3  }
0x33: {  	p0 =	seq.s32 s10, $0x1;
	s10 =	sld [smem:$0x3FB7];
	_ =	sdelay $0x3  }
0x34: {  	[smem:$0x3FB7] =	sst s10  }
0x35: {  	s10 =	sld [smem:$0x3FB6];
	_ =	sdelay $0x3  }
0x36: {  	p1 =	seq.s32 s10, $0x1;
	s10 =	sld [smem:$0x3FB7];
	_ =	sdelay $0x3  }
0x37: {  	[smem:$0x3FB7] =	sst s10  }
0x38: {  	s10 =	sld [smem:$0x3FB8]  }
0x39: {  	_ = 	snop;
	(pc) =	sbr.ind lr, $3  }
0x3a: {  	_ = 	snop  }
0x3b: {  	_ = 	snop  }
0x3c: {  	p2 =	seq.s32 s10, $0x1;
	s10 =	sld [smem:$0x3FB7]  }
0x3d: {  	_ =	shalt  }
0x3e: {  	_ =	shalt  }
0x3f: {  	_ =	shalt  }
0x40: {  	_ =	shalt  }
0x41: {  	_ =	shalt  }
0x42: {  	_ =	shalt  }
0x43: {  	_ =	shalt  }
0x44: {  	_ =	shalt  }
0x45: {  	_ =	shalt  }
0x46: {  	_ =	shalt  }
0x47: {  	_ =	shalt  }
0x48: {  	_ =	shalt  }
0x49: {  	_ =	shalt  }
0x4a: {  	_ =	shalt  }
0x4b: {  	_ =	shalt  }
0x4c: {  	_ =	shalt  }
0x4d: {  	_ =	shalt  }
0x4e: {  	_ =	shalt  }
0x4f: {  	_ =	shalt  }
0x50: {  	_ =	shalt  }
0x51: {  	_ =	shalt  }
0x52: {  	_ =	shalt  }
0x53: {  	_ =	shalt  }
0x54: {  	_ =	shalt  }
0x55: {  	_ =	shalt  }
0x56: {  	_ =	shalt  }
0x57: {  	_ =	shalt  }
0x58: {  	_ =	shalt  }
0x59: {  	_ =	shalt  }
0x5a: {  	_ =	shalt  }
0x5b: {  	_ =	shalt  }
0x5c: {  	_ =	shalt  }
0x5d: {  	_ =	shalt  }
0x5e: {  	_ =	shalt  }
0x5f: {  	_ =	shalt  }
0x60: {  	_ =	shalt  }
0x61: {  	_ =	shalt  }
0x62: {  	_ =	shalt  }
0x63: {  	_ =	shalt  }
0x64: {  	_ =	shalt  }
0x65: {  	_ =	shalt  }
0x66: {  	_ =	shalt  }
0x67: {  	_ =	shalt  }
0x68: {  	_ =	shalt  }
0x69: {  	_ =	shalt  }
0x6a: {  	_ =	shalt  }
0x6b: {  	_ =	shalt  }
0x6c: {  	_ =	shalt  }
0x6d: {  	_ =	shalt  }
0x6e: {  	_ =	shalt  }
0x6f: {  	_ =	shalt  }
0x70: {  	_ =	shalt  }
0x71: {  	_ =	shalt  }
0x72: {  	_ =	shalt  }
0x73: {  	_ =	shalt  }
0x74: {  	_ =	shalt  }
0x75: {  	_ =	shalt  }
0x76: {  	_ =	shalt  }
0x77: {  	_ =	shalt  }
0x78: {  	_ =	shalt  }
0x79: {  	_ =	shalt  }
0x7a: {  	_ =	shalt  }
0x7b: {  	_ =	shalt  }
0x7c: {  	_ =	shalt  }
0x7d: {  	_ =	shalt  }
0x7e: {  	_ =	shalt  }
0x7f: {  	_ =	shalt  }
0x80: {  	_ =	shalt  }
0x81: {  	_ =	shalt  }
0x82: {  	_ =	shalt  }
0x83: {  	_ =	shalt  }
0x84: {  	_ =	shalt  }
0x85: {  	_ =	shalt  }
0x86: {  	_ =	shalt  }
0x87: {  	_ =	shalt  }
.Lfunc_end0:
.L_simem_size_0:
called_computation_lowered:
.L_overlay_start_0:
0x88: {  	s2 =	sld [smem:$0x3FD9]  }
0x89: {  	s3 =	sld [smem:$0x3FFE];
	_ =	sdelay $0x1  }
0x8a: {  	s1 =	srdreg.scid  }
0x8b: {  	s0 =	sand.u32 $0x1, s1  }
0x8c: {  	s17 =	sshll.u32 s0, $0xA;
	s2 =	sadd.s32 s3, s2  }
0x8d: {  	s2 =	sadd.s32 s2, s17  }
0x8e: {  	[smem:$0x3FC3] =	sst s2  }
0x8f: {  	_ = 	snop  }
0x90: {  	s2 =	sld [smem:$0x3FD0];
	(tm) =	ssettm $0x1  }
0x91: {  	s18 =	sld [smem:$0x3FFB];
	_ =	sdelay $0x3  }
0x92: {  	_ =	strace s18  }
0x93: {  	s3 =	sld [smem:$0x3FFC];
	_ =	sdelay $0x3  }
0x94: {  	_ =	strace s3  }
0x95: {  	s3 =	sld [smem:$0x3FFD];
	_ =	sdelay $0x3  }
0x96: {  	_ =	strace s3  }
0x97: {  	_ =	strace $0x8FFFFFFF  }
0x98: {  	s19 =	sld [smem:$0x3FDB];
	_ =	sdelay $0x1  }
0x99: {  	s4 =	simm.s32 $_scs_section_size  }
0x9a: {  	s5 =	simm.s32 $_size__tile_overlayer_lowered;
	s6 =	simm.s32 $_tile_overlayer_lowered  }
0x9b: {  	s22 =	simm.s32 $0x1BFF;
	s21 =	sshll.u32 s6, $0x1;
	s3 =	sadd.s32 s4, s19  }
0x9c: {  	s7 =	simm.s32 $0x0;
	s20 =	sshll.u32 s5, $0x1;
	s5 =	sadd.s32 s21, s3  }
0x9d: {  	[timem:s7], [sflag:s22] =	dma.local [hbm:s5], s20  }
0x9e: {  	_ =	swait.ge [sflag:s22], s20  }
0x9f: {  	s4 =	ssub.s32 $0x0, s20;
	[sflag:s22] =	ssyncset.done $0x0  }
0xa0: {  	[sflag:s22] =	ssyncadd.s32 s4;
	_ =	sdelay $0x1  }
0xa1: {  	s23 =	simm.s32 $0x1B8B  }
0xa2: {  	_ =	swait.ge [sflag:s23], $0x1  }
0xa3: {  	[sflag:s23] =	ssyncset.done $0x0  }
0xa4: {  	s25 =	simm.s32 $0x1B8E;
	s24 =	sld [smem:$0x3FFE];
	[sflag:s23] =	ssyncadd.s32 $0xFFFFFFFF  }
0xa5: {  	s26 =	simm.s32 $execute0_lowered;
	[smem:$0x3FD2] =	sst s25  }
0xa6: {  	s5 =	sshll.u32 s26, $0x1;
	_ =	strace $0x80000046;
	[dreg:$0x1] =	wrdreg $0xFFFFFFFF  }
0xa7: {  	s28 =	simm.s32 $_size_execute0_lowered;
	s3 =	sadd.s32 s3, s5;
	[dreg:$0x0] =	wrdreg $0x0  }
0xa8: {  	s5 =	sshll.u32 s28, $0x1;
	[dreg:$0x2] =	wrdreg s3  }
0xa9: {  	[dreg:$0x3] =	wrdreg s5  }
0xaa: {  	[dreg:$0x4] =	wrdreg $0xC0  }
0xab: {  	_ =	task [dreg:s7], $0x5FFFF  }
0xac: {  	[dreg:$0x1] =	wrdreg $0xFFFFFFFF  }
0xad: {  	[dreg:$0x0] =	wrdreg $0x60  }
0xae: {  	[dreg:$0x2] =	wrdreg s24  }
0xaf: {  	[dreg:$0x3] =	wrdreg s2  }
0xb0: {  	[dreg:$0x4] =	wrdreg $0x0  }
0xb1: {  	[dreg:$0x5] =	wrdreg $0x9  }
0xb2: {  	_ =	task.clear_ibuf [dreg:s7], $0x6FFFF;
	_ =	strace $0x90000046  }
0xb3: {  	s29 =	simm.s32 $0x9;
	_ =	strace $0x80000048  }
0xb4: {  	_ =	swait.ge [sflag:s29], $0x1  }
0xb5: {  	[sflag:s29] =	ssyncadd.s32 $0xFFFFFFFF  }
0xb6: {  	_ =	strace $0x90000048  }
0xb7: {  	_ =	sfence  }
0xb8: {  	s30 =	sld [smem:$0x0];
	_ =	sdelay $0x2  }
0xb9: {  	s31 =	sshll.u32 s1, $0xD;
	s1 =	sshrl.u32 s1, $0x2  }
0xba: {  	s3 =	sand.u32 $0x4000, s31;
	s1 =	sadd.s32 s1, s30  }
0xbb: {  	s0 =	sor.u32 s3, s0;
	s1 =	sshll.u32 s1, $0x11  }
0xbc: {  	s0 =	sor.u32 s1, s0  }
0xbd: {  	s0 =	sadd.s32 $0x8F2B, s0  }
0xbe: {  	[sflag:s0] =	ssyncadd.remote.s32 $0x1  }
0xbf: {  	_ =	sfence.sel $0xFFFF  }
0xc0: {  	[dreg:$0x0] =	wrdreg $0xFFFFFFFF;
	(pc) =	sbr.abs _section_cstart, $3  }
0xc1: {  	[dreg:$0x1] =	wrdreg $0xFFFFFFFF  }
0xc2: {  	_ =	task.clear_ibuf [dreg:s7], $0x2FFFF;
	_ =	strace $0x9FFFFFFF  }
0xc3: {  	(tm) =	ssettm $0x7FFFFFFF  }
tec
execute0_lowered:
.L_overlay_start_1:
0x0: {  	(tag) =	ssettag $0x1  }
0x1: {  	s0 =	rddreg [dreg:$0x0]  }
0x2: {  	s2 =	rddreg [dreg:$0x2];
	s1 =	srdreg.scid;
	s4 =	simm.s32 $0x0  }
0x3: {  	s13 =	stileid.u32;
	s18 =	simm.s32 $0x13880;
	s19 =	simm.s32 $0x13A80  }
0x4: {  	s20 =	simm.s32 $0x1;
	s21 =	simm.s32 $0x80;
	s22 =	simm.s32 $0x13E80  }
0x5: {  	s23 =	simm.s32 $0x13980;
	s28 =	simm.s32 $0x2;
	s29 =	simm.s32 $0x17E80  }
0x6: {  	s30 =	simm.s32 $0x13B80;
	s31 =	simm.s32 $0x13D00;
	s1 =	sand.u32 $0x1, s1  }
0x7: {  	[smem:$0x7FF] =	sst s4;
	s8 =	smul.u32 $0x4F000, s13;
	s6 =	sadd.s32 $0x139800, s0  }
0x8: {  	s5 =	sadd.s32 $0xA00, s0;
	s7 =	sadd.s32 $0x139200, s0;
	s12 =	smul.u32 $0x13C00, s13  }
0x9: {  	s0 =	sadd.s32 $0x161000, s0;
	s24 =	smul.u32 $0x9E00, s13;
	p0 =	seq.s32 s13, $0xF  }
0xa: {  	s3 =	sshll.u32 s1, $0x4;
	_ =	strace $0x80000047;
	s10 =	smul.u32 $0x138800, s1  }
0xb: {  	s9 =	ssub.s32 $0x2, s1;
	s1 =	smul.u32 $0x9E000, s1;
	s3 =	sor.u32 s13, s3  }
0xc: {  	s11 =	sshrl.u32 s9, $0x1;
	s8 =	sshrl.u32 s8, $0x2;
	s3 =	smul.u32 $0x9E00, s3  }
0xd: {  	s9 =	ssub.s32 s9, s11;
	s8 =	sadd.s32 s8, s2;
	s11 =	sadd.s32 $0x128400, s2  }
0xe: {  	s12 =	sadd.s32 s12, s10;
	s10 =	sshrl.u32 s10, $0x3;
	s1 =	sadd.s32 s24, s1  }
0xf: {  	s24 =	simm.s32 $0x13C80;
	s25 =	sshrl.u32 s12, $0x3;
	s10 =	sadd.s32 s0, s10  }
0x10: {  	s26 =	sadd.s32 $0x600, s1;
	s12 =	smax.u32 s9, $0x1;
	s1 =	sadd.s32 $0x400, s1  }
0x11: {  	s16 =	sshrl.u32 @!p0 s8, $0x3;
	s9 =	simm.s32 $0x5;
	[dreg:$0x9] =	wrdreg s12  }
0x12: {  	s8 =	simm.s32 $0x8;
	s3 =	sshrl.u32 s3, $0x3;
	[dreg:$0xb] =	wrdreg s1  }
0x13: {  	s0 =	sadd.s32 s0, s25;
	s1 =	sshrl.u32 @p0 s11, $0x3;
	[dreg:$0xe] =	wrdreg s16  }
0x14: {  	s25 =	simm.s32 $0x13900;
	s11 =	simm.s32 $0x9;
	[dreg:$0x7] =	wrdreg s0  }
0x15: {  	s14 =	sadd.s32 s6, s3;
	s3 =	sadd.s32 $0x25080, s10;
	[dreg:$0xc] =	wrdreg s1  }
0x16: {  	s12 =	simm.s32 $0x4;
	s10 =	sshrl.u32 s26, $0x3;
	[dreg:$0x8] =	wrdreg s3  }
0x17: {  	s26 =	simm.s32 $0x13D80;
	s15 =	sadd.s32 $0x40, s14;
	[dreg:$0x5] =	wrdreg s14  }
0x18: {  	s1 =	simm.s32 $0x3;
	s14 =	sadd.s32 $0x1380, s14;
	[dreg:$0x6] =	wrdreg s15  }
0x19: {  	s0 =	sadd.s32 s10, s6;
	s3 =	simm.s32 $0x13E00;
	[dreg:$0xa] =	wrdreg s14  }
0x1a: {  	[dreg:$0x4] =	wrdreg s0;
	s0 =	sshll.u32 @!p0 s13, $0x6;
	s15 =	simm.s32 $0x0  }
0x1b: {  	s10 =	simm.s32 $0x7;
	s17 =	sor.u32 @!p0 $0x1C09, s0;
	[dreg:$0xf] =	wrdreg s15  }
0x1c: {  	s13 =	simm.s32 $0x6;
	s0 =	simm.s32 $0x13B00;
	[dreg:$0xd] =	wrdreg s17  }
.LBB2_1:
0x1d: {  	s14 =	rddreg [dreg:$0xc]  }
0x1e: {  	s15 =	simm.s32 @p0 $0x1FC9;
	s16 =	smov.u32 s17;
	s17 =	rddreg [dreg:$0x1]  }
0x1f: {  	[spmem:s14], [sflag:s15] =	dma.local @p0 [hbm:s17], $0x2080  }
0x20: {  	s15 =	simm.s32 @p0 $0x9  }
0x21: {  	_ =	swait.ge @p0 [sflag:s15], $0x2080  }
0x22: {  	[sflag:s15] =	ssyncset.done @p0 $0x0  }
0x23: {  	[sflag:s15] =	ssyncadd.s32 @p0 $0xFFFFDF80;
	s15 =	rddreg [dreg:$0xe]  }
0x24: {  	s14 =	rddreg [dreg:$0x1]  }
0x25: {  	[spmem:s15], [sflag:s16] =	dma.local @!p0 [hbm:s14], $0x2780  }
0x26: {  	s15 =	simm.s32 @!p0 $0x9  }
0x27: {  	_ =	swait.ge @!p0 [sflag:s15], $0x2780  }
0x28: {  	[sflag:s15] =	ssyncset.done @!p0 $0x0  }
0x29: {  	[sflag:s15] =	ssyncadd.s32 @!p0 $0xFFFFD880  }
0x2a: {  	[bflag:$0x0] =	sbarrier.arrive $0xFFFF  }
0x2b: {  	s17 =	rddreg [dreg:$0x5]  }
0x2c: {  	[tilespmem:s18], [sflag:$0x1] =	stream.linear.gather [hbm4b:s17+s4], $0x180, $0x38;
	[tilespmem:$0x1BE80] =	vst v63  }
0x2d: {  	s15 =	rddreg [dreg:$0x6]  }
0x2e: {  	[tilespmem:s19], [sflag:$0x2] =	stream.linear.gather [hbm4b:s15+s4], $0x180, $0x38;
	[tilespmem:$0x1BE80] =	vst v63  }
0x2f: {  	_ =	swait.ge [sflag:s20], $0x180  }
0x30: {  	[sflag:s20] =	ssyncset.done $0x0  }
0x31: {  	[sflag:s20] =	ssyncadd.s32 $0xFFFFFE80  }
0x32: {  	[tilespmem:s22], [sflag:$0x3] =	stream.indirect.gather [hbm4b:s5+s21], $0x80, s18, s21, $0xb8;
	[tilespmem:$0x1BE80] =	vst v63  }
0x33: {  	_ = 	snop  }
0x34: {  	[tilespmem:s24], [sflag:$0x5] =	stream.indirect.gather [hbm4b:s7+s21], $0x1, s23, s21, $0xb8;
	[tilespmem:$0x1BE80] =	vst v63  }
0x35: {  	_ = 	snop  }
0x36: {  	[tilespmem:s26], [sflag:$0x7] =	stream.indirect.gather [hbm4b:s7+s21], $0x1, s25, s21, $0xb8;
	[tilespmem:$0x1BE80] =	vst v63  }
0x37: {  	_ =	swait.ge [sflag:s28], $0x180  }
0x38: {  	[sflag:s28] =	ssyncset.done $0x0  }
0x39: {  	[sflag:s28] =	ssyncadd.s32 $0xFFFFFE80  }
0x3a: {  	[tilespmem:s29], [sflag:$0x4] =	stream.indirect.gather [hbm4b:s5+s21], $0x80, s19, s21, $0xb8;
	[tilespmem:$0x1BE80] =	vst v63  }
0x3b: {  	_ = 	snop  }
0x3c: {  	[tilespmem:s31], [sflag:$0x6] =	stream.indirect.gather [hbm4b:s7+s21], $0x1, s30, s21, $0xb8;
	[tilespmem:$0x1BE80] =	vst v63  }
0x3d: {  	_ = 	snop  }
0x3e: {  	[tilespmem:s3], [sflag:$0x8] =	stream.indirect.gather [hbm4b:s7+s21], $0x1, s0, s21, $0xb8;
	[tilespmem:$0x1BE80] =	vst v63  }
0x3f: {  	_ =	swait.ge [sflag:s1], $0x4000  }
0x40: {  	[sflag:s1] =	ssyncset.done $0x0  }
0x41: {  	[sflag:s1] =	ssyncadd.s32 $0xFFFFC000  }
0x42: {  	_ =	swait.ge [sflag:s9], $0x80  }
0x43: {  	[sflag:s9] =	ssyncset.done $0x0  }
0x44: {  	[sflag:s9] =	ssyncadd.s32 $0xFFFFFF80  }
0x45: {  	_ =	swait.ge [sflag:s10], $0x80  }
0x46: {  	[sflag:s10] =	ssyncset.done $0x0  }
0x47: {  	[sflag:s10] =	ssyncadd.s32 $0xFFFFFF80  }
0x48: {  	[spmem:s2] =	stream.indirect.scatter.add.f32 [tilespmem:s22], [sflag:$0x9], $0x80, s25, s21, $0xb8;
	[tilespmem:$0x1BE80] =	vst v63  }
0x49: {  	_ =	swait.ge [sflag:s11], $0x4000  }
0x4a: {  	s14 =	rddreg [dreg:$0xb]  }
0x4b: {  	[sflag:s11] =	ssyncset.done $0x0;
	s16 =	sshrl.u32 s14, $0x3  }
0x4c: {  	[sflag:s11] =	ssyncadd.s32 $0xFFFFC000;
	s15 =	sadd.s32 s6, s16  }
0x4d: {  	[tilespmem:s18], [sflag:$0x1] =	stream.linear.gather [hbm4b:s15+s4], $0x180, $0x38;
	[tilespmem:$0x1BE80] =	vst v63  }
0x4e: {  	_ =	swait.ge [sflag:s12], $0x4000  }
0x4f: {  	[sflag:s12] =	ssyncset.done $0x0  }
0x50: {  	[sflag:s12] =	ssyncadd.s32 $0xFFFFC000  }
0x51: {  	_ =	swait.ge [sflag:s13], $0x80  }
0x52: {  	[sflag:s13] =	ssyncset.done $0x0  }
0x53: {  	[sflag:s13] =	ssyncadd.s32 $0xFFFFFF80  }
0x54: {  	_ =	swait.ge [sflag:s8], $0x80  }
0x55: {  	[sflag:s8] =	ssyncset.done $0x0  }
0x56: {  	[sflag:s8] =	ssyncadd.s32 $0xFFFFFF80  }
0x57: {  	_ =	swait.ge [sflag:s20], $0x180  }
0x58: {  	[sflag:s20] =	ssyncset.done $0x0  }
0x59: {  	[sflag:s20] =	ssyncadd.s32 $0xFFFFFE80  }
0x5a: {  	[tilespmem:s22], [sflag:$0x3] =	stream.indirect.gather [hbm4b:s5+s21], $0x80, s18, s21, $0xb8;
	[tilespmem:$0x1BE80] =	vst v63  }
0x5b: {  	_ = 	snop  }
0x5c: {  	[tilespmem:s24], [sflag:$0x5] =	stream.indirect.gather [hbm4b:s7+s21], $0x1, s23, s21, $0xb8;
	[tilespmem:$0x1BE80] =	vst v63  }
0x5d: {  	_ = 	snop  }
0x5e: {  	[tilespmem:s26], [sflag:$0x7] =	stream.indirect.gather [hbm4b:s7+s21], $0x1, s25, s21, $0xb8;
	[tilespmem:$0x1BE80] =	vst v63  }
0x5f: {  	_ = 	snop  }
0x60: {  	[spmem:s2] =	stream.indirect.scatter.add.f32 [tilespmem:s29], [sflag:$0x9], $0x80, s0, s21, $0xb8;
	[tilespmem:$0x1BE80] =	vst v63  }
0x61: {  	_ =	swait.ge [sflag:s11], $0x4000  }
0x62: {  	s16 =	sadd.s32 $0x400, s14;
	s17 =	rddreg [dreg:$0x4];
	[sflag:s11] =	ssyncset.done $0x0  }
0x63: {  	s15 =	simm.s32 $0x80;
	[sflag:s11] =	ssyncadd.s32 $0xFFFFC000;
	s17 =	sadd.s32 $0x0, s17  }
.LBB2_2:
0x64: {  	[tilespmem:s19], [sflag:$0x2] =	stream.linear.gather [hbm4b:s17+s4], $0x180, $0x38;
	[tilespmem:$0x1BE80] =	vst v63  }
0x65: {  	_ =	swait.ge [sflag:s28], $0x180  }
0x66: {  	[sflag:s28] =	ssyncset.done $0x0  }
0x67: {  	[sflag:s28] =	ssyncadd.s32 $0xFFFFFE80  }
0x68: {  	[tilespmem:s29], [sflag:$0x4] =	stream.indirect.gather [hbm4b:s5+s21], $0x80, s19, s21, $0xb8;
	[tilespmem:$0x1BE80] =	vst v63  }
0x69: {  	_ = 	snop  }
0x6a: {  	[tilespmem:s31], [sflag:$0x6] =	stream.indirect.gather [hbm4b:s7+s21], $0x1, s30, s21, $0xb8;
	[tilespmem:$0x1BE80] =	vst v63  }
0x6b: {  	_ = 	snop  }
0x6c: {  	[tilespmem:s3], [sflag:$0x8] =	stream.indirect.gather [hbm4b:s7+s21], $0x1, s0, s21, $0xb8;
	[tilespmem:$0x1BE80] =	vst v63  }
0x6d: {  	_ =	swait.ge [sflag:s1], $0x4000  }
0x6e: {  	[sflag:s1] =	ssyncset.done $0x0  }
0x6f: {  	[sflag:s1] =	ssyncadd.s32 $0xFFFFC000  }
0x70: {  	_ =	swait.ge [sflag:s9], $0x80  }
0x71: {  	[sflag:s9] =	ssyncset.done $0x0  }
0x72: {  	[sflag:s9] =	ssyncadd.s32 $0xFFFFFF80  }
0x73: {  	_ =	swait.ge [sflag:s10], $0x80  }
0x74: {  	[sflag:s10] =	ssyncset.done $0x0  }
0x75: {  	[sflag:s10] =	ssyncadd.s32 $0xFFFFFF80  }
0x76: {  	[spmem:s2] =	stream.indirect.scatter.add.f32 [tilespmem:s22], [sflag:$0x9], $0x80, s25, s21, $0xb8;
	[tilespmem:$0x1BE80] =	vst v63  }
0x77: {  	_ =	swait.ge [sflag:s11], $0x4000  }
0x78: {  	s14 =	sshrl.u32 s16, $0x3;
	[sflag:s11] =	ssyncset.done $0x0  }
0x79: {  	s14 =	sadd.s32 s6, s14;
	[sflag:s11] =	ssyncadd.s32 $0xFFFFC000  }
0x7a: {  	[tilespmem:s18], [sflag:$0x1] =	stream.linear.gather [hbm4b:s14+s4], $0x180, $0x38;
	[tilespmem:$0x1BE80] =	vst v63  }
0x7b: {  	_ =	swait.ge [sflag:s12], $0x4000  }
0x7c: {  	[sflag:s12] =	ssyncset.done $0x0  }
0x7d: {  	[sflag:s12] =	ssyncadd.s32 $0xFFFFC000  }
0x7e: {  	_ =	swait.ge [sflag:s13], $0x80  }
0x7f: {  	[sflag:s13] =	ssyncset.done $0x0  }
0x80: {  	[sflag:s13] =	ssyncadd.s32 $0xFFFFFF80  }
0x81: {  	_ =	swait.ge [sflag:s8], $0x80  }
0x82: {  	[sflag:s8] =	ssyncset.done $0x0  }
0x83: {  	[sflag:s8] =	ssyncadd.s32 $0xFFFFFF80  }
0x84: {  	_ =	swait.ge [sflag:s20], $0x180  }
0x85: {  	[sflag:s20] =	ssyncset.done $0x0  }
0x86: {  	[sflag:s20] =	ssyncadd.s32 $0xFFFFFE80  }
0x87: {  	[tilespmem:s22], [sflag:$0x3] =	stream.indirect.gather [hbm4b:s5+s21], $0x80, s18, s21, $0xb8;
	[tilespmem:$0x1BE80] =	vst v63  }
0x88: {  	_ = 	snop  }
0x89: {  	[tilespmem:s24], [sflag:$0x5] =	stream.indirect.gather [hbm4b:s7+s21], $0x1, s23, s21, $0xb8;
	[tilespmem:$0x1BE80] =	vst v63  }
0x8a: {  	p1 =	sne.s32 s15, $0x1280  }
0x8b: {  	[tilespmem:s26], [sflag:$0x7] =	stream.indirect.gather [hbm4b:s7+s21], $0x1, s25, s21, $0xb8;
	[tilespmem:$0x1BE80] =	vst v63  }
.Ltmp0:
0x8c: {  	_ = 	snop;
	(pc) =	sbr.rel @p1 .LBB2_2-.Ltmp0, $4  }
0x8d: {  	[spmem:s2] =	stream.indirect.scatter.add.f32 [tilespmem:s29], [sflag:$0x9], $0x80, s0, s21, $0xb8;
	[tilespmem:$0x1BE80] =	vst v63  }
0x8e: {  	s17 =	smov.u32 s15;
	_ =	swait.ge [sflag:s11], $0x4000  }
0x8f: {  	s15 =	sadd.s32 $0x80, s15;
	[sflag:s11] =	ssyncset.done $0x0;
	s14 =	rddreg [dreg:$0x4]  }
0x90: {  	s16 =	sadd.s32 $0x400, s16;
	[sflag:s11] =	ssyncadd.s32 $0xFFFFC000;
	s17 =	sadd.s32 s17, s14  }
0x91: {  	[tilespmem:s19], [sflag:$0x2] =	stream.linear.gather [hbm4b:s17+s4], $0x180, $0x38;
	[tilespmem:$0x1BE80] =	vst v63  }
0x92: {  	_ =	swait.ge [sflag:s28], $0x180  }
0x93: {  	[sflag:s28] =	ssyncset.done $0x0  }
0x94: {  	[sflag:s28] =	ssyncadd.s32 $0xFFFFFE80  }
0x95: {  	[tilespmem:s29], [sflag:$0x4] =	stream.indirect.gather [hbm4b:s5+s21], $0x80, s19, s21, $0xb8;
	[tilespmem:$0x1BE80] =	vst v63  }
0x96: {  	_ = 	snop  }
0x97: {  	[tilespmem:s31], [sflag:$0x6] =	stream.indirect.gather [hbm4b:s7+s21], $0x1, s30, s21, $0xb8;
	[tilespmem:$0x1BE80] =	vst v63  }
0x98: {  	_ = 	snop  }
0x99: {  	[tilespmem:s3], [sflag:$0x8] =	stream.indirect.gather [hbm4b:s7+s21], $0x1, s0, s21, $0xb8;
	[tilespmem:$0x1BE80] =	vst v63  }
0x9a: {  	_ =	swait.ge [sflag:s1], $0x4000  }
0x9b: {  	[sflag:s1] =	ssyncset.done $0x0  }
0x9c: {  	[sflag:s1] =	ssyncadd.s32 $0xFFFFC000  }
0x9d: {  	_ =	swait.ge [sflag:s9], $0x80  }
0x9e: {  	[sflag:s9] =	ssyncset.done $0x0  }
0x9f: {  	[sflag:s9] =	ssyncadd.s32 $0xFFFFFF80  }
0xa0: {  	_ =	swait.ge [sflag:s10], $0x80  }
0xa1: {  	[sflag:s10] =	ssyncset.done $0x0  }
0xa2: {  	[sflag:s10] =	ssyncadd.s32 $0xFFFFFF80  }
0xa3: {  	[spmem:s2] =	stream.indirect.scatter.add.f32 [tilespmem:s22], [sflag:$0x9], $0x80, s25, s21, $0xb8;
	[tilespmem:$0x1BE80] =	vst v63  }
0xa4: {  	_ =	swait.ge [sflag:s11], $0x4000  }
0xa5: {  	[sflag:s11] =	ssyncset.done $0x0  }
0xa6: {  	s14 =	rddreg [dreg:$0xa];
	[sflag:s11] =	ssyncadd.s32 $0xFFFFC000  }
0xa7: {  	[tilespmem:s18], [sflag:$0x1] =	stream.linear.gather [hbm4b:s14+s4], $0x180, $0x38;
	[tilespmem:$0x1BE80] =	vst v63  }
0xa8: {  	_ =	swait.ge [sflag:s12], $0x4000  }
0xa9: {  	[sflag:s12] =	ssyncset.done $0x0  }
0xaa: {  	[sflag:s12] =	ssyncadd.s32 $0xFFFFC000  }
0xab: {  	_ =	swait.ge [sflag:s13], $0x80  }
0xac: {  	[sflag:s13] =	ssyncset.done $0x0  }
0xad: {  	[sflag:s13] =	ssyncadd.s32 $0xFFFFFF80  }
0xae: {  	_ =	swait.ge [sflag:s8], $0x80  }
0xaf: {  	[sflag:s8] =	ssyncset.done $0x0  }
0xb0: {  	[sflag:s8] =	ssyncadd.s32 $0xFFFFFF80  }
0xb1: {  	_ =	swait.ge [sflag:s20], $0x180  }
0xb2: {  	[sflag:s20] =	ssyncset.done $0x0  }
0xb3: {  	[sflag:s20] =	ssyncadd.s32 $0xFFFFFE80  }
0xb4: {  	[tilespmem:s22], [sflag:$0x3] =	stream.indirect.gather [hbm4b:s5+s21], $0x80, s18, s21, $0xb8;
	[tilespmem:$0x1BE80] =	vst v63  }
0xb5: {  	_ = 	snop  }
0xb6: {  	[tilespmem:s24], [sflag:$0x5] =	stream.indirect.gather [hbm4b:s7+s21], $0x1, s23, s21, $0xb8;
	[tilespmem:$0x1BE80] =	vst v63  }
0xb7: {  	_ = 	snop  }
0xb8: {  	[tilespmem:s26], [sflag:$0x7] =	stream.indirect.gather [hbm4b:s7+s21], $0x1, s25, s21, $0xb8;
	[tilespmem:$0x1BE80] =	vst v63  }
0xb9: {  	_ = 	snop  }
0xba: {  	[spmem:s2] =	stream.indirect.scatter.add.f32 [tilespmem:s29], [sflag:$0x9], $0x80, s0, s21, $0xb8;
	[tilespmem:$0x1BE80] =	vst v63  }
0xbb: {  	_ =	swait.ge [sflag:s11], $0x4000  }
0xbc: {  	[sflag:s11] =	ssyncset.done $0x0  }
0xbd: {  	[sflag:s11] =	ssyncadd.s32 $0xFFFFC000  }
0xbe: {  	_ =	swait.ge [sflag:s1], $0x4000  }
0xbf: {  	[sflag:s1] =	ssyncset.done $0x0  }
0xc0: {  	[sflag:s1] =	ssyncadd.s32 $0xFFFFC000  }
0xc1: {  	_ =	swait.ge [sflag:s9], $0x80  }
0xc2: {  	[sflag:s9] =	ssyncset.done $0x0  }
0xc3: {  	[sflag:s9] =	ssyncadd.s32 $0xFFFFFF80  }
0xc4: {  	_ =	swait.ge [sflag:s10], $0x80  }
0xc5: {  	[sflag:s10] =	ssyncset.done $0x0  }
0xc6: {  	[sflag:s10] =	ssyncadd.s32 $0xFFFFFF80  }
0xc7: {  	[spmem:s2] =	stream.indirect.scatter.add.f32 [tilespmem:s22], [sflag:$0x9], $0x80, s25, s21, $0xb8;
	[tilespmem:$0x1BE80] =	vst v63  }
0xc8: {  	_ =	swait.ge [sflag:s11], $0x4000  }
0xc9: {  	[sflag:s11] =	ssyncset.done $0x0  }
0xca: {  	[sflag:s11] =	ssyncadd.s32 $0xFFFFC000  }
0xcb: {  	[bflag:$0x0] =	sbarrier.arrive $0xFFFF  }
0xcc: {  	s15 =	rddreg [dreg:$0x8]  }
0xcd: {  	s14 =	simm.s32 @p0 $0x1FC9;
	s16 =	rddreg [dreg:$0xc]  }
0xce: {  	[hbm:s15], [sflag:s14] =	dma.local @p0 [spmem:s16], $0x2080  }
0xcf: {  	s14 =	simm.s32 @p0 $0x9  }
0xd0: {  	_ =	swait.ge @p0 [sflag:s14], $0x2080  }
0xd1: {  	s17 =	rddreg [dreg:$0xd]  }
0xd2: {  	[sflag:s14] =	ssyncset.done @p0 $0x0;
	s16 =	rddreg [dreg:$0xe]  }
0xd3: {  	s15 =	simm.s32 @!p0 $0x9;
	[sflag:s14] =	ssyncadd.s32 @p0 $0xFFFFDF80;
	s14 =	rddreg [dreg:$0x7]  }
0xd4: {  	[hbm:s14], [sflag:s17] =	dma.local @!p0 [spmem:s16], $0x2780  }
0xd5: {  	_ =	swait.ge @!p0 [sflag:s15], $0x2780  }
0xd6: {  	s16 =	rddreg [dreg:$0xf]  }
0xd7: {  	s14 =	sadd.s32 $0x1, s16;
	s16 =	rddreg [dreg:$0x9]  }
0xd8: {  	p1 =	sne.s32 s14, s16  }
.Ltmp1:
0xd9: {  	_ = 	snop;
	(pc) =	sbr.rel @p1 .LBB2_1-.Ltmp1, $3  }
0xda: {  	_ =	sdelay $0x1  }
0xdb: {  	[sflag:s15] =	ssyncset.done @!p0 $0x0;
	[dreg:$0xf] =	wrdreg s14;
	s14 =	simm.s32 @!p0 $0x9  }
0xdc: {  	[sflag:s14] =	ssyncadd.s32 @!p0 $0xFFFFD880  }
0xdd: {  	_ =	sfence.sel $0x180000  }
0xde: {  	[bflag:$0x0] =	sbarrier.arrive $0xFFFF  }
0xdf: {  	_ =	strace $0x90000047  }
0xe0: {  	s0 =	stileid.u32;
	[bflag:$0x2] =	sbarrier.arrive $0xFFFF  }
0xe1: {  	p0 =	sne.s32 s0, $0x0;
	s0 =	rddreg [dreg:$0x3]  }
0xe2: {  	s0 =	sadd.s32 @!p0 $0x100000, s0  }
0xe3: {  	[sflag:s0] =	ssyncadd.tile.s32 @!p0 $0x1;
	_ =	shalt  }
.Lfunc_end2:
_tile_overlayer_lowered:
.L_overlay_start_2:
0xe4: {  	(tag) =	ssettag $0x2  }
0xe5: {  	s0 =	rddreg [dreg:$0x0];
	s2 =	stileid.u32  }
0xe6: {  	s1 =	rddreg [dreg:$0x1];
	p0 =	sne.s32 s2, $0x0  }
0xe7: {  	s3 =	rddreg [dreg:$0x2];
	[bflag:$0x3] =	sbarrier.arrive $0xFFFF;
	s2 =	simm.s32 @!p0 $0x1C09  }
0xe8: {  	[timem:s3], [sflag:s2] =	dma.local @!p0 [hbm:s0], s1  }
0xe9: {  	s0 =	simm.s32 @!p0 $0x9  }
0xea: {  	_ =	swait.ge @!p0 [sflag:s0], s1  }
0xeb: {  	s1 =	ssub.s32 @!p0 $0x0, s1;
	[sflag:s0] =	ssyncset.done @!p0 $0x0  }
0xec: {  	[sflag:s0] =	ssyncadd.s32 @!p0 s1  }
0xed: {  	[bflag:$0x3] =	sbarrier.arrive $0xFFFF  }
0xee: {  	_ =	shalt  }

</sc_bundles>
